<compile_context>
chip_gen: v7x
topology: tpu7x:2x2x1
jax: 0.10.2.dev20260603
libtpu: 0.0.44.dev20260713+nightly
codegen_flags: <defaults>
</compile_context>

<pallas_src>
import functools

import jax
import jax.numpy as jnp
from jax import lax
from jax.experimental import pallas as pl
from jax.experimental.pallas import tpu as pltpu
from jax.experimental.pallas import tpu_sc as plsc

NC = 2
NS = 16
NW = NC * NS
CHUNK = 136
NBUF = 6


@functools.partial(jax.jit, static_argnames=("chunks_per_w",))
def _sc_gather(idx, table, *, chunks_per_w):
    n = idx.shape[0]
    d = table.shape[1]
    b_per_w = chunks_per_w * CHUNK
    assert chunks_per_w >= NBUF + 1
    assert n % 8 == 0 and b_per_w <= n
    stride = -(-(n - b_per_w) // (8 * (NW - 1))) * 8
    mesh = plsc.VectorSubcoreMesh(core_axis_name="c", subcore_axis_name="s")

    @functools.partial(
        pl.kernel,
        mesh=mesh,
        out_type=jax.ShapeDtypeStruct((n, d), jnp.float32),
        scratch_types=[
            pltpu.VMEM((b_per_w,), jnp.int32),
            pltpu.VMEM((NBUF, CHUNK, d), jnp.float32),
            pltpu.VMEM_SHARED(table.shape, jnp.float32),
            pltpu.SemaphoreType.DMA,
            pltpu.SemaphoreType.DMA,
        ],
    )
    def k(idx_hbm, table_hbm, out_hbm, idx_v, rows_v, table_sp, gsem, osem):
        sid = lax.axis_index("s")
        wid = sid * NC + lax.axis_index("c")
        base = pl.multiple_of(jnp.minimum(wid * stride, n - b_per_w), 8)

        @pl.when(sid == 0)
        def _stage():
            pltpu.sync_copy(table_hbm, table_sp)

        pltpu.sync_copy(idx_hbm.at[pl.ds(base, b_per_w)], idx_v)
        plsc.subcore_barrier()

        def gather(c, slot):
            pltpu.async_copy(
                table_sp.at[idx_v.at[pl.ds(c * CHUNK, CHUNK)]], rows_v.at[slot], gsem)

        def put(c, slot):
            pltpu.async_copy(
                rows_v.at[slot], out_hbm.at[pl.ds(base + c * CHUNK, CHUNK)], osem)

        def wait_gather():
            pltpu.make_async_copy(
                table_sp.at[pl.ds(0, CHUNK)], rows_v.at[0], gsem).wait()

        def wait_put():
            pltpu.make_async_copy(
                rows_v.at[0], out_hbm.at[pl.ds(base, CHUNK)], osem).wait()

        for b in range(NBUF):
            gather(b, b)
        wait_gather()
        put(0, 0)

        def body(c, _):
            wait_gather()
            put(c, lax.rem(c, NBUF))
            wait_put()
            gather(c + NBUF - 1, lax.rem(c - 1, NBUF))
            return _

        lax.fori_loop(1, chunks_per_w - NBUF + 1, body, None)
        for c in range(chunks_per_w - NBUF + 1, chunks_per_w):
            wait_gather()
            put(c, c % NBUF)
            wait_put()
        wait_put()

    return k(idx, table)


def kernel(op_indices, W):
    n = op_indices.shape[0]
    chunks_per_w = -(-n // (NW * CHUNK))
    idx = op_indices.astype(jnp.int32)
    return _sc_gather(idx, W, chunks_per_w=chunks_per_w)

# --- scband reference (transcript-rebuilt; emitter-appended) ---
"""Pipeline reference for scband-op-embedding-88819923681441 (READ-ONLY COPY).

The authoritative reference and input builder live on the scoring server;
editing this copy changes nothing except your own understanding.
"""

import jax, jax.numpy as jnp
import numpy as np

NUM_OPS = 1000
EMBED_D = 128
N_NODES = 100000

def setup_inputs(seed: int = 0) -> dict:
    key = jax.random.key(seed)
    k_idx, k_w = jax.random.split(key)
    op_indices = jax.random.randint(k_idx, (N_NODES,), 0, NUM_OPS, dtype=jnp.int64 if jax.config.jax_enable_x64 else jnp.int32)
    W = jax.random.normal(k_w, (NUM_OPS, EMBED_D), dtype=jnp.float32)
    return {"op_indices": op_indices, "W": W}

def reference(op_indices, W):
    # _OpEmbedding.forward: graph.x = self.embedding_layer(graph.op_indices)
    # nn.Embedding lookup == row gather from the embedding table.
    op_features_embedded = jnp.take(W, op_indices, axis=0)
    return op_features_embedded

if __name__ == "__main__":
    import jax
    _d = setup_inputs()
    print(jax.jit(kernel)(*tuple(_d.values())))

</pallas_src>

<mosaic_0001>
#map = affine_map<(d0, d1) -> (0)>
#map1 = affine_map<(d0, d1) -> (0, 0)>
module attributes {stable_mosaic.version = 14 : i64} {
  func.func @k(%arg0: i32, %arg1: i32, %arg2: memref<100000xi32, #tpu.memory_space<hbm>>, %arg3: memref<1000x128xf32, #tpu.memory_space<hbm>>, %arg4: memref<100000x128xf32, #tpu.memory_space<hbm>>, %arg5: memref<3128xi32, #tpu.memory_space<vmem>>, %arg6: memref<6x136x128xf32, #tpu.memory_space<vmem>>, %arg7: memref<1000x128xf32, #tpu.memory_space<vmem_shared>>, %arg8: memref<!tpu.dma_semaphore, #tpu.memory_space<semaphore_mem>>, %arg9: memref<!tpu.dma_semaphore, #tpu.memory_space<semaphore_mem>>) attributes {dimension_semantics = [#tpu.dimension_semantics<core_parallel>, #tpu.dimension_semantics<subcore_parallel>], iteration_bounds = array<i64: 2, 16>, scalar_prefetch = 0 : i64, scratch_operands = 5 : i64, tpu.core_type = #tpu.core_type<sc_vector_subcore>, window_params = [{transform_indices = #map}, {transform_indices = #map1}, {transform_indices = #map1}]} {
    %mul3A = arith.constant 2 : i32
    %mul3A_0 = arith.muli %arg1, %mul3A : i32
    %add3A = arith.addi %mul3A_0, %arg0 : i32
    %mul3A_1 = arith.constant 3128 : i32
    %mul3A_2 = arith.muli %add3A, %mul3A_1 : i32
    %min3A = arith.constant 96872 : i32
    %min3A_3 = arith.minsi %mul3A_2, %min3A : i32
    %multiple_of3A = tpu.assume_multiple %min3A_3, 8 : i32
    %eq3A = arith.constant 0 : i32
    %eq3A_4 = arith.cmpi eq, %arg1, %eq3A : i32
    %convert_element_type3A = arith.extui %eq3A_4 : i1 to i32
    %cond3A = arith.constant 0 : i32
    %cond3A_5 = arith.cmpi ne, %convert_element_type3A, %cond3A : i32
    scf.if %cond3A_5 {
      "tpu.region"() ({
        %run_scoped3A = tpu.sem_alloc : memref<!tpu.dma_semaphore, #tpu.memory_space<semaphore_mem>>
        tpu.enqueue_dma source(%arg3 : memref<1000x128xf32, #tpu.memory_space<hbm>>) target(%arg7 : memref<1000x128xf32, #tpu.memory_space<vmem_shared>>) target_semaphore(%run_scoped3A : memref<!tpu.dma_semaphore, #tpu.memory_space<semaphore_mem>>)
        tpu.wait_dma2 semaphore(%run_scoped3A : memref<!tpu.dma_semaphore, #tpu.memory_space<semaphore_mem>>) src(%arg3 : memref<1000x128xf32, #tpu.memory_space<hbm>>) dst(%arg7 : memref<1000x128xf32, #tpu.memory_space<vmem_shared>>)
        tpu.yield
      }) : () -> ()
    } else {
    }
    "tpu.region"() ({
      %run_scoped3A = tpu.sem_alloc : memref<!tpu.dma_semaphore, #tpu.memory_space<semaphore_mem>>
      %dma_start3A_326 = tpu.memref_slice %arg2[%multiple_of3A] : memref<100000xi32, #tpu.memory_space<hbm>> -> memref<3128xi32, #tpu.memory_space<hbm>>
      %dma_start3A_327 = tpu.memref_slice %arg2[%multiple_of3A] : memref<100000xi32, #tpu.memory_space<hbm>> -> memref<3128xi32, #tpu.memory_space<hbm>>
      tpu.enqueue_dma source(%dma_start3A_327 : memref<3128xi32, #tpu.memory_space<hbm>>) target(%arg5 : memref<3128xi32, #tpu.memory_space<vmem>>) target_semaphore(%run_scoped3A : memref<!tpu.dma_semaphore, #tpu.memory_space<semaphore_mem>>)
      %dma_wait3A_328 = tpu.memref_slice %arg2[%multiple_of3A] : memref<100000xi32, #tpu.memory_space<hbm>> -> memref<3128xi32, #tpu.memory_space<hbm>>
      %dma_wait3A_329 = tpu.memref_slice %arg2[%multiple_of3A] : memref<100000xi32, #tpu.memory_space<hbm>> -> memref<3128xi32, #tpu.memory_space<hbm>>
      tpu.wait_dma2 semaphore(%run_scoped3A : memref<!tpu.dma_semaphore, #tpu.memory_space<semaphore_mem>>) src(%dma_wait3A_329 : memref<3128xi32, #tpu.memory_space<hbm>>) dst(%arg5 : memref<3128xi32, #tpu.memory_space<vmem>>)
      tpu.yield
    }) : () -> ()
    %barrier3A = arith.constant 0 : index
    tpu.barrier barrier_id(%barrier3A)
    %dma_start3A = arith.constant 0 : i32
    %dma_start3A_6 = arith.constant 0 : i32
    %dma_start3A_7 = arith.constant 0 : i32
    %dma_start3A_8 = tpu.memref_slice %arg6[%dma_start3A, %dma_start3A_6, %dma_start3A_7] : memref<6x136x128xf32, #tpu.memory_space<vmem>> -> memref<1x136x128xf32, #tpu.memory_space<vmem>>
    %dma_start3A_9 = tpu.memref_squeeze %dma_start3A_8 : memref<1x136x128xf32, #tpu.memory_space<vmem>> -> memref<136x128xf32, #tpu.memory_space<vmem>>
    %dma_start3A_10 = arith.constant 0 : i32
    %dma_start3A_11 = tpu.memref_slice %arg5[%dma_start3A_10] : memref<3128xi32, #tpu.memory_space<vmem>> -> memref<136xi32, #tpu.memory_space<vmem>>
    %dma_start3A_12 = arith.constant 0 : i32
    %dma_start3A_13 = arith.constant 0 : i32
    %dma_start3A_14 = tpu.memref_slice %arg7[%dma_start3A_12, %dma_start3A_13] : memref<1000x128xf32, #tpu.memory_space<vmem_shared>> -> memref<1000x128xf32, #tpu.memory_space<vmem_shared>>
    tpu.enqueue_indirect_dma source(%dma_start3A_14 : memref<1000x128xf32, #tpu.memory_space<vmem_shared>>) target(%dma_start3A_9 : memref<136x128xf32, #tpu.memory_space<vmem>>) offsets(%dma_start3A_11 : memref<136xi32, #tpu.memory_space<vmem>>) semaphore(%arg8 : memref<!tpu.dma_semaphore, #tpu.memory_space<semaphore_mem>>)
    %dma_start3A_15 = arith.constant 1 : i32
    %dma_start3A_16 = arith.constant 0 : i32
    %dma_start3A_17 = arith.constant 0 : i32
    %dma_start3A_18 = tpu.memref_slice %arg6[%dma_start3A_15, %dma_start3A_16, %dma_start3A_17] : memref<6x136x128xf32, #tpu.memory_space<vmem>> -> memref<1x136x128xf32, #tpu.memory_space<vmem>>
    %dma_start3A_19 = tpu.memref_squeeze %dma_start3A_18 : memref<1x136x128xf32, #tpu.memory_space<vmem>> -> memref<136x128xf32, #tpu.memory_space<vmem>>
    %dma_start3A_20 = arith.constant 136 : i32
    %dma_start3A_21 = tpu.memref_slice %arg5[%dma_start3A_20] : memref<3128xi32, #tpu.memory_space<vmem>> -> memref<136xi32, #tpu.memory_space<vmem>>
    %dma_start3A_22 = arith.constant 0 : i32
    %dma_start3A_23 = arith.constant 0 : i32
    %dma_start3A_24 = tpu.memref_slice %arg7[%dma_start3A_22, %dma_start3A_23] : memref<1000x128xf32, #tpu.memory_space<vmem_shared>> -> memref<1000x128xf32, #tpu.memory_space<vmem_shared>>
    tpu.enqueue_indirect_dma source(%dma_start3A_24 : memref<1000x128xf32, #tpu.memory_space<vmem_shared>>) target(%dma_start3A_19 : memref<136x128xf32, #tpu.memory_space<vmem>>) offsets(%dma_start3A_21 : memref<136xi32, #tpu.memory_space<vmem>>) semaphore(%arg8 : memref<!tpu.dma_semaphore, #tpu.memory_space<semaphore_mem>>)
    %dma_start3A_25 = arith.constant 2 : i32
    %dma_start3A_26 = arith.constant 0 : i32
    %dma_start3A_27 = arith.constant 0 : i32
    %dma_start3A_28 = tpu.memref_slice %arg6[%dma_start3A_25, %dma_start3A_26, %dma_start3A_27] : memref<6x136x128xf32, #tpu.memory_space<vmem>> -> memref<1x136x128xf32, #tpu.memory_space<vmem>>
    %dma_start3A_29 = tpu.memref_squeeze %dma_start3A_28 : memref<1x136x128xf32, #tpu.memory_space<vmem>> -> memref<136x128xf32, #tpu.memory_space<vmem>>
    %dma_start3A_30 = arith.constant 272 : i32
    %dma_start3A_31 = tpu.memref_slice %arg5[%dma_start3A_30] : memref<3128xi32, #tpu.memory_space<vmem>> -> memref<136xi32, #tpu.memory_space<vmem>>
    %dma_start3A_32 = arith.constant 0 : i32
    %dma_start3A_33 = arith.constant 0 : i32
    %dma_start3A_34 = tpu.memref_slice %arg7[%dma_start3A_32, %dma_start3A_33] : memref<1000x128xf32, #tpu.memory_space<vmem_shared>> -> memref<1000x128xf32, #tpu.memory_space<vmem_shared>>
    tpu.enqueue_indirect_dma source(%dma_start3A_34 : memref<1000x128xf32, #tpu.memory_space<vmem_shared>>) target(%dma_start3A_29 : memref<136x128xf32, #tpu.memory_space<vmem>>) offsets(%dma_start3A_31 : memref<136xi32, #tpu.memory_space<vmem>>) semaphore(%arg8 : memref<!tpu.dma_semaphore, #tpu.memory_space<semaphore_mem>>)
    %dma_start3A_35 = arith.constant 3 : i32
    %dma_start3A_36 = arith.constant 0 : i32
    %dma_start3A_37 = arith.constant 0 : i32
    %dma_start3A_38 = tpu.memref_slice %arg6[%dma_start3A_35, %dma_start3A_36, %dma_start3A_37] : memref<6x136x128xf32, #tpu.memory_space<vmem>> -> memref<1x136x128xf32, #tpu.memory_space<vmem>>
    %dma_start3A_39 = tpu.memref_squeeze %dma_start3A_38 : memref<1x136x128xf32, #tpu.memory_space<vmem>> -> memref<136x128xf32, #tpu.memory_space<vmem>>
    %dma_start3A_40 = arith.constant 408 : i32
    %dma_start3A_41 = tpu.memref_slice %arg5[%dma_start3A_40] : memref<3128xi32, #tpu.memory_space<vmem>> -> memref<136xi32, #tpu.memory_space<vmem>>
    %dma_start3A_42 = arith.constant 0 : i32
    %dma_start3A_43 = arith.constant 0 : i32
    %dma_start3A_44 = tpu.memref_slice %arg7[%dma_start3A_42, %dma_start3A_43] : memref<1000x128xf32, #tpu.memory_space<vmem_shared>> -> memref<1000x128xf32, #tpu.memory_space<vmem_shared>>
    tpu.enqueue_indirect_dma source(%dma_start3A_44 : memref<1000x128xf32, #tpu.memory_space<vmem_shared>>) target(%dma_start3A_39 : memref<136x128xf32, #tpu.memory_space<vmem>>) offsets(%dma_start3A_41 : memref<136xi32, #tpu.memory_space<vmem>>) semaphore(%arg8 : memref<!tpu.dma_semaphore, #tpu.memory_space<semaphore_mem>>)
    %dma_start3A_45 = arith.constant 4 : i32
    %dma_start3A_46 = arith.constant 0 : i32
    %dma_start3A_47 = arith.constant 0 : i32
    %dma_start3A_48 = tpu.memref_slice %arg6[%dma_start3A_45, %dma_start3A_46, %dma_start3A_47] : memref<6x136x128xf32, #tpu.memory_space<vmem>> -> memref<1x136x128xf32, #tpu.memory_space<vmem>>
    %dma_start3A_49 = tpu.memref_squeeze %dma_start3A_48 : memref<1x136x128xf32, #tpu.memory_space<vmem>> -> memref<136x128xf32, #tpu.memory_space<vmem>>
    %dma_start3A_50 = arith.constant 544 : i32
    %dma_start3A_51 = tpu.memref_slice %arg5[%dma_start3A_50] : memref<3128xi32, #tpu.memory_space<vmem>> -> memref<136xi32, #tpu.memory_space<vmem>>
    %dma_start3A_52 = arith.constant 0 : i32
    %dma_start3A_53 = arith.constant 0 : i32
    %dma_start3A_54 = tpu.memref_slice %arg7[%dma_start3A_52, %dma_start3A_53] : memref<1000x128xf32, #tpu.memory_space<vmem_shared>> -> memref<1000x128xf32, #tpu.memory_space<vmem_shared>>
    tpu.enqueue_indirect_dma source(%dma_start3A_54 : memref<1000x128xf32, #tpu.memory_space<vmem_shared>>) target(%dma_start3A_49 : memref<136x128xf32, #tpu.memory_space<vmem>>) offsets(%dma_start3A_51 : memref<136xi32, #tpu.memory_space<vmem>>) semaphore(%arg8 : memref<!tpu.dma_semaphore, #tpu.memory_space<semaphore_mem>>)
    %dma_start3A_55 = arith.constant 5 : i32
    %dma_start3A_56 = arith.constant 0 : i32
    %dma_start3A_57 = arith.constant 0 : i32
    %dma_start3A_58 = tpu.memref_slice %arg6[%dma_start3A_55, %dma_start3A_56, %dma_start3A_57] : memref<6x136x128xf32, #tpu.memory_space<vmem>> -> memref<1x136x128xf32, #tpu.memory_space<vmem>>
    %dma_start3A_59 = tpu.memref_squeeze %dma_start3A_58 : memref<1x136x128xf32, #tpu.memory_space<vmem>> -> memref<136x128xf32, #tpu.memory_space<vmem>>
    %dma_start3A_60 = arith.constant 680 : i32
    %dma_start3A_61 = tpu.memref_slice %arg5[%dma_start3A_60] : memref<3128xi32, #tpu.memory_space<vmem>> -> memref<136xi32, #tpu.memory_space<vmem>>
    %dma_start3A_62 = arith.constant 0 : i32
    %dma_start3A_63 = arith.constant 0 : i32
    %dma_start3A_64 = tpu.memref_slice %arg7[%dma_start3A_62, %dma_start3A_63] : memref<1000x128xf32, #tpu.memory_space<vmem_shared>> -> memref<1000x128xf32, #tpu.memory_space<vmem_shared>>
    tpu.enqueue_indirect_dma source(%dma_start3A_64 : memref<1000x128xf32, #tpu.memory_space<vmem_shared>>) target(%dma_start3A_59 : memref<136x128xf32, #tpu.memory_space<vmem>>) offsets(%dma_start3A_61 : memref<136xi32, #tpu.memory_space<vmem>>) semaphore(%arg8 : memref<!tpu.dma_semaphore, #tpu.memory_space<semaphore_mem>>)
    %dma_wait3A = arith.constant 0 : i32
    %dma_wait3A_65 = arith.constant 0 : i32
    %dma_wait3A_66 = arith.constant 0 : i32
    %dma_wait3A_67 = tpu.memref_slice %arg6[%dma_wait3A, %dma_wait3A_65, %dma_wait3A_66] : memref<6x136x128xf32, #tpu.memory_space<vmem>> -> memref<1x136x128xf32, #tpu.memory_space<vmem>>
    %dma_wait3A_68 = tpu.memref_squeeze %dma_wait3A_67 : memref<1x136x128xf32, #tpu.memory_space<vmem>> -> memref<136x128xf32, #tpu.memory_space<vmem>>
    %dma_wait3A_69 = arith.constant 0 : i32
    %dma_wait3A_70 = arith.constant 0 : i32
    %dma_wait3A_71 = tpu.memref_slice %arg7[%dma_wait3A_69, %dma_wait3A_70] : memref<1000x128xf32, #tpu.memory_space<vmem_shared>> -> memref<136x128xf32, #tpu.memory_space<vmem_shared>>
    %dma_wait3A_72 = arith.constant 0 : i32
    %dma_wait3A_73 = arith.constant 0 : i32
    %dma_wait3A_74 = tpu.memref_slice %arg6[%dma_wait3A, %dma_wait3A_72, %dma_wait3A_73] : memref<6x136x128xf32, #tpu.memory_space<vmem>> -> memref<1x136x128xf32, #tpu.memory_space<vmem>>
    %dma_wait3A_75 = tpu.memref_squeeze %dma_wait3A_74 : memref<1x136x128xf32, #tpu.memory_space<vmem>> -> memref<136x128xf32, #tpu.memory_space<vmem>>
    %dma_wait3A_76 = arith.constant 0 : i32
    %dma_wait3A_77 = arith.constant 0 : i32
    %dma_wait3A_78 = tpu.memref_slice %arg7[%dma_wait3A_76, %dma_wait3A_77] : memref<1000x128xf32, #tpu.memory_space<vmem_shared>> -> memref<136x128xf32, #tpu.memory_space<vmem_shared>>
    tpu.wait_dma2 semaphore(%arg8 : memref<!tpu.dma_semaphore, #tpu.memory_space<semaphore_mem>>) src(%dma_wait3A_78 : memref<136x128xf32, #tpu.memory_space<vmem_shared>>) dst(%dma_wait3A_75 : memref<136x128xf32, #tpu.memory_space<vmem>>)
    %add3A_79 = arith.constant 0 : i32
    %add3A_80 = arith.addi %multiple_of3A, %add3A_79 : i32
    %dma_start3A_81 = arith.constant 0 : i32
    %dma_start3A_82 = arith.constant 0 : i32
    %dma_start3A_83 = arith.constant 0 : i32
    %dma_start3A_84 = tpu.memref_slice %arg6[%dma_start3A_81, %dma_start3A_82, %dma_start3A_83] : memref<6x136x128xf32, #tpu.memory_space<vmem>> -> memref<1x136x128xf32, #tpu.memory_space<vmem>>
    %dma_start3A_85 = tpu.memref_squeeze %dma_start3A_84 : memref<1x136x128xf32, #tpu.memory_space<vmem>> -> memref<136x128xf32, #tpu.memory_space<vmem>>
    %dma_start3A_86 = arith.constant 0 : i32
    %dma_start3A_87 = tpu.memref_slice %arg4[%add3A_80, %dma_start3A_86] : memref<100000x128xf32, #tpu.memory_space<hbm>> -> memref<136x128xf32, #tpu.memory_space<hbm>>
    %dma_start3A_88 = arith.constant 0 : i32
    %dma_start3A_89 = tpu.memref_slice %arg4[%add3A_80, %dma_start3A_88] : memref<100000x128xf32, #tpu.memory_space<hbm>> -> memref<136x128xf32, #tpu.memory_space<hbm>>
    %dma_start3A_90 = arith.constant 0 : i32
    %dma_start3A_91 = arith.constant 0 : i32
    %dma_start3A_92 = tpu.memref_slice %arg6[%dma_start3A_81, %dma_start3A_90, %dma_start3A_91] : memref<6x136x128xf32, #tpu.memory_space<vmem>> -> memref<1x136x128xf32, #tpu.memory_space<vmem>>
    %dma_start3A_93 = tpu.memref_squeeze %dma_start3A_92 : memref<1x136x128xf32, #tpu.memory_space<vmem>> -> memref<136x128xf32, #tpu.memory_space<vmem>>
    tpu.enqueue_dma source(%dma_start3A_93 : memref<136x128xf32, #tpu.memory_space<vmem>>) target(%dma_start3A_89 : memref<136x128xf32, #tpu.memory_space<hbm>>) target_semaphore(%arg9 : memref<!tpu.dma_semaphore, #tpu.memory_space<semaphore_mem>>)
    %scan3A = arith.constant 1 : i32
    %scan3A_94 = arith.constant 17 : i32
    %scan3A_95 = arith.addi %scan3A, %scan3A_94 : i32
    %scan3A_96 = arith.constant 1 : i32
    scf.for %scan3A_326 = %scan3A to %scan3A_95 step %scan3A_96  : i32 {
      %dma_wait3A_327 = arith.constant 0 : i32
      %dma_wait3A_328 = arith.constant 0 : i32
      %dma_wait3A_329 = arith.constant 0 : i32
      %dma_wait3A_330 = tpu.memref_slice %arg6[%dma_wait3A_327, %dma_wait3A_328, %dma_wait3A_329] : memref<6x136x128xf32, #tpu.memory_space<vmem>> -> memref<1x136x128xf32, #tpu.memory_space<vmem>>
      %dma_wait3A_331 = tpu.memref_squeeze %dma_wait3A_330 : memref<1x136x128xf32, #tpu.memory_space<vmem>> -> memref<136x128xf32, #tpu.memory_space<vmem>>
      %dma_wait3A_332 = arith.constant 0 : i32
      %dma_wait3A_333 = arith.constant 0 : i32
      %dma_wait3A_334 = tpu.memref_slice %arg7[%dma_wait3A_332, %dma_wait3A_333] : memref<1000x128xf32, #tpu.memory_space<vmem_shared>> -> memref<136x128xf32, #tpu.memory_space<vmem_shared>>
      %dma_wait3A_335 = arith.constant 0 : i32
      %dma_wait3A_336 = arith.constant 0 : i32
      %dma_wait3A_337 = tpu.memref_slice %arg6[%dma_wait3A_327, %dma_wait3A_335, %dma_wait3A_336] : memref<6x136x128xf32, #tpu.memory_space<vmem>> -> memref<1x136x128xf32, #tpu.memory_space<vmem>>
      %dma_wait3A_338 = tpu.memref_squeeze %dma_wait3A_337 : memref<1x136x128xf32, #tpu.memory_space<vmem>> -> memref<136x128xf32, #tpu.memory_space<vmem>>
      %dma_wait3A_339 = arith.constant 0 : i32
      %dma_wait3A_340 = arith.constant 0 : i32
      %dma_wait3A_341 = tpu.memref_slice %arg7[%dma_wait3A_339, %dma_wait3A_340] : memref<1000x128xf32, #tpu.memory_space<vmem_shared>> -> memref<136x128xf32, #tpu.memory_space<vmem_shared>>
      tpu.wait_dma2 semaphore(%arg8 : memref<!tpu.dma_semaphore, #tpu.memory_space<semaphore_mem>>) src(%dma_wait3A_341 : memref<136x128xf32, #tpu.memory_space<vmem_shared>>) dst(%dma_wait3A_338 : memref<136x128xf32, #tpu.memory_space<vmem>>)
      %rem3A = arith.constant 6 : i32
      %rem3A_342 = arith.remsi %scan3A_326, %rem3A : i32
      %mul3A_343 = arith.constant 136 : i32
      %mul3A_344 = arith.muli %scan3A_326, %mul3A_343 : i32
      %add3A_345 = arith.addi %multiple_of3A, %mul3A_344 : i32
      %dma_start3A_346 = arith.constant 0 : i32
      %dma_start3A_347 = arith.constant 0 : i32
      %dma_start3A_348 = tpu.memref_slice %arg6[%rem3A_342, %dma_start3A_346, %dma_start3A_347] : memref<6x136x128xf32, #tpu.memory_space<vmem>> -> memref<1x136x128xf32, #tpu.memory_space<vmem>>
      %dma_start3A_349 = tpu.memref_squeeze %dma_start3A_348 : memref<1x136x128xf32, #tpu.memory_space<vmem>> -> memref<136x128xf32, #tpu.memory_space<vmem>>
      %dma_start3A_350 = arith.constant 0 : i32
      %dma_start3A_351 = tpu.memref_slice %arg4[%add3A_345, %dma_start3A_350] : memref<100000x128xf32, #tpu.memory_space<hbm>> -> memref<136x128xf32, #tpu.memory_space<hbm>>
      %dma_start3A_352 = arith.constant 0 : i32
      %dma_start3A_353 = tpu.memref_slice %arg4[%add3A_345, %dma_start3A_352] : memref<100000x128xf32, #tpu.memory_space<hbm>> -> memref<136x128xf32, #tpu.memory_space<hbm>>
      %dma_start3A_354 = arith.constant 0 : i32
      %dma_start3A_355 = arith.constant 0 : i32
      %dma_start3A_356 = tpu.memref_slice %arg6[%rem3A_342, %dma_start3A_354, %dma_start3A_355] : memref<6x136x128xf32, #tpu.memory_space<vmem>> -> memref<1x136x128xf32, #tpu.memory_space<vmem>>
      %dma_start3A_357 = tpu.memref_squeeze %dma_start3A_356 : memref<1x136x128xf32, #tpu.memory_space<vmem>> -> memref<136x128xf32, #tpu.memory_space<vmem>>
      tpu.enqueue_dma source(%dma_start3A_357 : memref<136x128xf32, #tpu.memory_space<vmem>>) target(%dma_start3A_353 : memref<136x128xf32, #tpu.memory_space<hbm>>) target_semaphore(%arg9 : memref<!tpu.dma_semaphore, #tpu.memory_space<semaphore_mem>>)
      %dma_wait3A_358 = arith.constant 0 : i32
      %dma_wait3A_359 = arith.constant 0 : i32
      %dma_wait3A_360 = arith.constant 0 : i32
      %dma_wait3A_361 = tpu.memref_slice %arg6[%dma_wait3A_358, %dma_wait3A_359, %dma_wait3A_360] : memref<6x136x128xf32, #tpu.memory_space<vmem>> -> memref<1x136x128xf32, #tpu.memory_space<vmem>>
      %dma_wait3A_362 = tpu.memref_squeeze %dma_wait3A_361 : memref<1x136x128xf32, #tpu.memory_space<vmem>> -> memref<136x128xf32, #tpu.memory_space<vmem>>
      %dma_wait3A_363 = arith.constant 0 : i32
      %dma_wait3A_364 = tpu.memref_slice %arg4[%multiple_of3A, %dma_wait3A_363] : memref<100000x128xf32, #tpu.memory_space<hbm>> -> memref<136x128xf32, #tpu.memory_space<hbm>>
      %dma_wait3A_365 = arith.constant 0 : i32
      %dma_wait3A_366 = tpu.memref_slice %arg4[%multiple_of3A, %dma_wait3A_365] : memref<100000x128xf32, #tpu.memory_space<hbm>> -> memref<136x128xf32, #tpu.memory_space<hbm>>
      %dma_wait3A_367 = arith.constant 0 : i32
      %dma_wait3A_368 = arith.constant 0 : i32
      %dma_wait3A_369 = tpu.memref_slice %arg6[%dma_wait3A_358, %dma_wait3A_367, %dma_wait3A_368] : memref<6x136x128xf32, #tpu.memory_space<vmem>> -> memref<1x136x128xf32, #tpu.memory_space<vmem>>
      %dma_wait3A_370 = tpu.memref_squeeze %dma_wait3A_369 : memref<1x136x128xf32, #tpu.memory_space<vmem>> -> memref<136x128xf32, #tpu.memory_space<vmem>>
      tpu.wait_dma2 semaphore(%arg9 : memref<!tpu.dma_semaphore, #tpu.memory_space<semaphore_mem>>) src(%dma_wait3A_370 : memref<136x128xf32, #tpu.memory_space<vmem>>) dst(%dma_wait3A_366 : memref<136x128xf32, #tpu.memory_space<hbm>>)
      %add3A_371 = arith.constant 6 : i32
      %add3A_372 = arith.addi %scan3A_326, %add3A_371 : i32
      %sub3A = arith.constant 1 : i32
      %sub3A_373 = arith.subi %add3A_372, %sub3A : i32
      %sub3A_374 = arith.constant 1 : i32
      %sub3A_375 = arith.subi %scan3A_326, %sub3A_374 : i32
      %rem3A_376 = arith.constant 6 : i32
      %rem3A_377 = arith.remsi %sub3A_375, %rem3A_376 : i32
      %mul3A_378 = arith.constant 136 : i32
      %mul3A_379 = arith.muli %sub3A_373, %mul3A_378 : i32
      %dma_start3A_380 = arith.constant 0 : i32
      %dma_start3A_381 = arith.constant 0 : i32
      %dma_start3A_382 = tpu.memref_slice %arg6[%rem3A_377, %dma_start3A_380, %dma_start3A_381] : memref<6x136x128xf32, #tpu.memory_space<vmem>> -> memref<1x136x128xf32, #tpu.memory_space<vmem>>
      %dma_start3A_383 = tpu.memref_squeeze %dma_start3A_382 : memref<1x136x128xf32, #tpu.memory_space<vmem>> -> memref<136x128xf32, #tpu.memory_space<vmem>>
      %dma_start3A_384 = tpu.memref_slice %arg5[%mul3A_379] : memref<3128xi32, #tpu.memory_space<vmem>> -> memref<136xi32, #tpu.memory_space<vmem>>
      %dma_start3A_385 = arith.constant 0 : i32
      %dma_start3A_386 = arith.constant 0 : i32
      %dma_start3A_387 = tpu.memref_slice %arg7[%dma_start3A_385, %dma_start3A_386] : memref<1000x128xf32, #tpu.memory_space<vmem_shared>> -> memref<1000x128xf32, #tpu.memory_space<vmem_shared>>
      tpu.enqueue_indirect_dma source(%dma_start3A_387 : memref<1000x128xf32, #tpu.memory_space<vmem_shared>>) target(%dma_start3A_383 : memref<136x128xf32, #tpu.memory_space<vmem>>) offsets(%dma_start3A_384 : memref<136xi32, #tpu.memory_space<vmem>>) semaphore(%arg8 : memref<!tpu.dma_semaphore, #tpu.memory_space<semaphore_mem>>)
    }
    %scan3A_97 = arith.constant 17 : i32
    %dma_wait3A_98 = arith.constant 0 : i32
    %dma_wait3A_99 = arith.constant 0 : i32
    %dma_wait3A_100 = arith.constant 0 : i32
    %dma_wait3A_101 = tpu.memref_slice %arg6[%dma_wait3A_98, %dma_wait3A_99, %dma_wait3A_100] : memref<6x136x128xf32, #tpu.memory_space<vmem>> -> memref<1x136x128xf32, #tpu.memory_space<vmem>>
    %dma_wait3A_102 = tpu.memref_squeeze %dma_wait3A_101 : memref<1x136x128xf32, #tpu.memory_space<vmem>> -> memref<136x128xf32, #tpu.memory_space<vmem>>
    %dma_wait3A_103 = arith.constant 0 : i32
    %dma_wait3A_104 = arith.constant 0 : i32
    %dma_wait3A_105 = tpu.memref_slice %arg7[%dma_wait3A_103, %dma_wait3A_104] : memref<1000x128xf32, #tpu.memory_space<vmem_shared>> -> memref<136x128xf32, #tpu.memory_space<vmem_shared>>
    %dma_wait3A_106 = arith.constant 0 : i32
    %dma_wait3A_107 = arith.constant 0 : i32
    %dma_wait3A_108 = tpu.memref_slice %arg6[%dma_wait3A_98, %dma_wait3A_106, %dma_wait3A_107] : memref<6x136x128xf32, #tpu.memory_space<vmem>> -> memref<1x136x128xf32, #tpu.memory_space<vmem>>
    %dma_wait3A_109 = tpu.memref_squeeze %dma_wait3A_108 : memref<1x136x128xf32, #tpu.memory_space<vmem>> -> memref<136x128xf32, #tpu.memory_space<vmem>>
    %dma_wait3A_110 = arith.constant 0 : i32
    %dma_wait3A_111 = arith.constant 0 : i32
    %dma_wait3A_112 = tpu.memref_slice %arg7[%dma_wait3A_110, %dma_wait3A_111] : memref<1000x128xf32, #tpu.memory_space<vmem_shared>> -> memref<136x128xf32, #tpu.memory_space<vmem_shared>>
    tpu.wait_dma2 semaphore(%arg8 : memref<!tpu.dma_semaphore, #tpu.memory_space<semaphore_mem>>) src(%dma_wait3A_112 : memref<136x128xf32, #tpu.memory_space<vmem_shared>>) dst(%dma_wait3A_109 : memref<136x128xf32, #tpu.memory_space<vmem>>)
    %add3A_113 = arith.constant 2448 : i32
    %add3A_114 = arith.addi %multiple_of3A, %add3A_113 : i32
    %dma_start3A_115 = arith.constant 0 : i32
    %dma_start3A_116 = arith.constant 0 : i32
    %dma_start3A_117 = arith.constant 0 : i32
    %dma_start3A_118 = tpu.memref_slice %arg6[%dma_start3A_115, %dma_start3A_116, %dma_start3A_117] : memref<6x136x128xf32, #tpu.memory_space<vmem>> -> memref<1x136x128xf32, #tpu.memory_space<vmem>>
    %dma_start3A_119 = tpu.memref_squeeze %dma_start3A_118 : memref<1x136x128xf32, #tpu.memory_space<vmem>> -> memref<136x128xf32, #tpu.memory_space<vmem>>
    %dma_start3A_120 = arith.constant 0 : i32
    %dma_start3A_121 = tpu.memref_slice %arg4[%add3A_114, %dma_start3A_120] : memref<100000x128xf32, #tpu.memory_space<hbm>> -> memref<136x128xf32, #tpu.memory_space<hbm>>
    %dma_start3A_122 = arith.constant 0 : i32
    %dma_start3A_123 = tpu.memref_slice %arg4[%add3A_114, %dma_start3A_122] : memref<100000x128xf32, #tpu.memory_space<hbm>> -> memref<136x128xf32, #tpu.memory_space<hbm>>
    %dma_start3A_124 = arith.constant 0 : i32
    %dma_start3A_125 = arith.constant 0 : i32
    %dma_start3A_126 = tpu.memref_slice %arg6[%dma_start3A_115, %dma_start3A_124, %dma_start3A_125] : memref<6x136x128xf32, #tpu.memory_space<vmem>> -> memref<1x136x128xf32, #tpu.memory_space<vmem>>
    %dma_start3A_127 = tpu.memref_squeeze %dma_start3A_126 : memref<1x136x128xf32, #tpu.memory_space<vmem>> -> memref<136x128xf32, #tpu.memory_space<vmem>>
    tpu.enqueue_dma source(%dma_start3A_127 : memref<136x128xf32, #tpu.memory_space<vmem>>) target(%dma_start3A_123 : memref<136x128xf32, #tpu.memory_space<hbm>>) target_semaphore(%arg9 : memref<!tpu.dma_semaphore, #tpu.memory_space<semaphore_mem>>)
    %dma_wait3A_128 = arith.constant 0 : i32
    %dma_wait3A_129 = arith.constant 0 : i32
    %dma_wait3A_130 = arith.constant 0 : i32
    %dma_wait3A_131 = tpu.memref_slice %arg6[%dma_wait3A_128, %dma_wait3A_129, %dma_wait3A_130] : memref<6x136x128xf32, #tpu.memory_space<vmem>> -> memref<1x136x128xf32, #tpu.memory_space<vmem>>
    %dma_wait3A_132 = tpu.memref_squeeze %dma_wait3A_131 : memref<1x136x128xf32, #tpu.memory_space<vmem>> -> memref<136x128xf32, #tpu.memory_space<vmem>>
    %dma_wait3A_133 = arith.constant 0 : i32
    %dma_wait3A_134 = tpu.memref_slice %arg4[%multiple_of3A, %dma_wait3A_133] : memref<100000x128xf32, #tpu.memory_space<hbm>> -> memref<136x128xf32, #tpu.memory_space<hbm>>
    %dma_wait3A_135 = arith.constant 0 : i32
    %dma_wait3A_136 = tpu.memref_slice %arg4[%multiple_of3A, %dma_wait3A_135] : memref<100000x128xf32, #tpu.memory_space<hbm>> -> memref<136x128xf32, #tpu.memory_space<hbm>>
    %dma_wait3A_137 = arith.constant 0 : i32
    %dma_wait3A_138 = arith.constant 0 : i32
    %dma_wait3A_139 = tpu.memref_slice %arg6[%dma_wait3A_128, %dma_wait3A_137, %dma_wait3A_138] : memref<6x136x128xf32, #tpu.memory_space<vmem>> -> memref<1x136x128xf32, #tpu.memory_space<vmem>>
    %dma_wait3A_140 = tpu.memref_squeeze %dma_wait3A_139 : memref<1x136x128xf32, #tpu.memory_space<vmem>> -> memref<136x128xf32, #tpu.memory_space<vmem>>
    tpu.wait_dma2 semaphore(%arg9 : memref<!tpu.dma_semaphore, #tpu.memory_space<semaphore_mem>>) src(%dma_wait3A_140 : memref<136x128xf32, #tpu.memory_space<vmem>>) dst(%dma_wait3A_136 : memref<136x128xf32, #tpu.memory_space<hbm>>)
    %dma_wait3A_141 = arith.constant 0 : i32
    %dma_wait3A_142 = arith.constant 0 : i32
    %dma_wait3A_143 = arith.constant 0 : i32
    %dma_wait3A_144 = tpu.memref_slice %arg6[%dma_wait3A_141, %dma_wait3A_142, %dma_wait3A_143] : memref<6x136x128xf32, #tpu.memory_space<vmem>> -> memref<1x136x128xf32, #tpu.memory_space<vmem>>
    %dma_wait3A_145 = tpu.memref_squeeze %dma_wait3A_144 : memref<1x136x128xf32, #tpu.memory_space<vmem>> -> memref<136x128xf32, #tpu.memory_space<vmem>>
    %dma_wait3A_146 = arith.constant 0 : i32
    %dma_wait3A_147 = arith.constant 0 : i32
    %dma_wait3A_148 = tpu.memref_slice %arg7[%dma_wait3A_146, %dma_wait3A_147] : memref<1000x128xf32, #tpu.memory_space<vmem_shared>> -> memref<136x128xf32, #tpu.memory_space<vmem_shared>>
    %dma_wait3A_149 = arith.constant 0 : i32
    %dma_wait3A_150 = arith.constant 0 : i32
    %dma_wait3A_151 = tpu.memref_slice %arg6[%dma_wait3A_141, %dma_wait3A_149, %dma_wait3A_150] : memref<6x136x128xf32, #tpu.memory_space<vmem>> -> memref<1x136x128xf32, #tpu.memory_space<vmem>>
    %dma_wait3A_152 = tpu.memref_squeeze %dma_wait3A_151 : memref<1x136x128xf32, #tpu.memory_space<vmem>> -> memref<136x128xf32, #tpu.memory_space<vmem>>
    %dma_wait3A_153 = arith.constant 0 : i32
    %dma_wait3A_154 = arith.constant 0 : i32
    %dma_wait3A_155 = tpu.memref_slice %arg7[%dma_wait3A_153, %dma_wait3A_154] : memref<1000x128xf32, #tpu.memory_space<vmem_shared>> -> memref<136x128xf32, #tpu.memory_space<vmem_shared>>
    tpu.wait_dma2 semaphore(%arg8 : memref<!tpu.dma_semaphore, #tpu.memory_space<semaphore_mem>>) src(%dma_wait3A_155 : memref<136x128xf32, #tpu.memory_space<vmem_shared>>) dst(%dma_wait3A_152 : memref<136x128xf32, #tpu.memory_space<vmem>>)
    %add3A_156 = arith.constant 2584 : i32
    %add3A_157 = arith.addi %multiple_of3A, %add3A_156 : i32
    %dma_start3A_158 = arith.constant 1 : i32
    %dma_start3A_159 = arith.constant 0 : i32
    %dma_start3A_160 = arith.constant 0 : i32
    %dma_start3A_161 = tpu.memref_slice %arg6[%dma_start3A_158, %dma_start3A_159, %dma_start3A_160] : memref<6x136x128xf32, #tpu.memory_space<vmem>> -> memref<1x136x128xf32, #tpu.memory_space<vmem>>
    %dma_start3A_162 = tpu.memref_squeeze %dma_start3A_161 : memref<1x136x128xf32, #tpu.memory_space<vmem>> -> memref<136x128xf32, #tpu.memory_space<vmem>>
    %dma_start3A_163 = arith.constant 0 : i32
    %dma_start3A_164 = tpu.memref_slice %arg4[%add3A_157, %dma_start3A_163] : memref<100000x128xf32, #tpu.memory_space<hbm>> -> memref<136x128xf32, #tpu.memory_space<hbm>>
    %dma_start3A_165 = arith.constant 0 : i32
    %dma_start3A_166 = tpu.memref_slice %arg4[%add3A_157, %dma_start3A_165] : memref<100000x128xf32, #tpu.memory_space<hbm>> -> memref<136x128xf32, #tpu.memory_space<hbm>>
    %dma_start3A_167 = arith.constant 0 : i32
    %dma_start3A_168 = arith.constant 0 : i32
    %dma_start3A_169 = tpu.memref_slice %arg6[%dma_start3A_158, %dma_start3A_167, %dma_start3A_168] : memref<6x136x128xf32, #tpu.memory_space<vmem>> -> memref<1x136x128xf32, #tpu.memory_space<vmem>>
    %dma_start3A_170 = tpu.memref_squeeze %dma_start3A_169 : memref<1x136x128xf32, #tpu.memory_space<vmem>> -> memref<136x128xf32, #tpu.memory_space<vmem>>
    tpu.enqueue_dma source(%dma_start3A_170 : memref<136x128xf32, #tpu.memory_space<vmem>>) target(%dma_start3A_166 : memref<136x128xf32, #tpu.memory_space<hbm>>) target_semaphore(%arg9 : memref<!tpu.dma_semaphore, #tpu.memory_space<semaphore_mem>>)
    %dma_wait3A_171 = arith.constant 0 : i32
    %dma_wait3A_172 = arith.constant 0 : i32
    %dma_wait3A_173 = arith.constant 0 : i32
    %dma_wait3A_174 = tpu.memref_slice %arg6[%dma_wait3A_171, %dma_wait3A_172, %dma_wait3A_173] : memref<6x136x128xf32, #tpu.memory_space<vmem>> -> memref<1x136x128xf32, #tpu.memory_space<vmem>>
    %dma_wait3A_175 = tpu.memref_squeeze %dma_wait3A_174 : memref<1x136x128xf32, #tpu.memory_space<vmem>> -> memref<136x128xf32, #tpu.memory_space<vmem>>
    %dma_wait3A_176 = arith.constant 0 : i32
    %dma_wait3A_177 = tpu.memref_slice %arg4[%multiple_of3A, %dma_wait3A_176] : memref<100000x128xf32, #tpu.memory_space<hbm>> -> memref<136x128xf32, #tpu.memory_space<hbm>>
    %dma_wait3A_178 = arith.constant 0 : i32
    %dma_wait3A_179 = tpu.memref_slice %arg4[%multiple_of3A, %dma_wait3A_178] : memref<100000x128xf32, #tpu.memory_space<hbm>> -> memref<136x128xf32, #tpu.memory_space<hbm>>
    %dma_wait3A_180 = arith.constant 0 : i32
    %dma_wait3A_181 = arith.constant 0 : i32
    %dma_wait3A_182 = tpu.memref_slice %arg6[%dma_wait3A_171, %dma_wait3A_180, %dma_wait3A_181] : memref<6x136x128xf32, #tpu.memory_space<vmem>> -> memref<1x136x128xf32, #tpu.memory_space<vmem>>
    %dma_wait3A_183 = tpu.memref_squeeze %dma_wait3A_182 : memref<1x136x128xf32, #tpu.memory_space<vmem>> -> memref<136x128xf32, #tpu.memory_space<vmem>>
    tpu.wait_dma2 semaphore(%arg9 : memref<!tpu.dma_semaphore, #tpu.memory_space<semaphore_mem>>) src(%dma_wait3A_183 : memref<136x128xf32, #tpu.memory_space<vmem>>) dst(%dma_wait3A_179 : memref<136x128xf32, #tpu.memory_space<hbm>>)
    %dma_wait3A_184 = arith.constant 0 : i32
    %dma_wait3A_185 = arith.constant 0 : i32
    %dma_wait3A_186 = arith.constant 0 : i32
    %dma_wait3A_187 = tpu.memref_slice %arg6[%dma_wait3A_184, %dma_wait3A_185, %dma_wait3A_186] : memref<6x136x128xf32, #tpu.memory_space<vmem>> -> memref<1x136x128xf32, #tpu.memory_space<vmem>>
    %dma_wait3A_188 = tpu.memref_squeeze %dma_wait3A_187 : memref<1x136x128xf32, #tpu.memory_space<vmem>> -> memref<136x128xf32, #tpu.memory_space<vmem>>
    %dma_wait3A_189 = arith.constant 0 : i32
    %dma_wait3A_190 = arith.constant 0 : i32
    %dma_wait3A_191 = tpu.memref_slice %arg7[%dma_wait3A_189, %dma_wait3A_190] : memref<1000x128xf32, #tpu.memory_space<vmem_shared>> -> memref<136x128xf32, #tpu.memory_space<vmem_shared>>
    %dma_wait3A_192 = arith.constant 0 : i32
    %dma_wait3A_193 = arith.constant 0 : i32
    %dma_wait3A_194 = tpu.memref_slice %arg6[%dma_wait3A_184, %dma_wait3A_192, %dma_wait3A_193] : memref<6x136x128xf32, #tpu.memory_space<vmem>> -> memref<1x136x128xf32, #tpu.memory_space<vmem>>
    %dma_wait3A_195 = tpu.memref_squeeze %dma_wait3A_194 : memref<1x136x128xf32, #tpu.memory_space<vmem>> -> memref<136x128xf32, #tpu.memory_space<vmem>>
    %dma_wait3A_196 = arith.constant 0 : i32
    %dma_wait3A_197 = arith.constant 0 : i32
    %dma_wait3A_198 = tpu.memref_slice %arg7[%dma_wait3A_196, %dma_wait3A_197] : memref<1000x128xf32, #tpu.memory_space<vmem_shared>> -> memref<136x128xf32, #tpu.memory_space<vmem_shared>>
    tpu.wait_dma2 semaphore(%arg8 : memref<!tpu.dma_semaphore, #tpu.memory_space<semaphore_mem>>) src(%dma_wait3A_198 : memref<136x128xf32, #tpu.memory_space<vmem_shared>>) dst(%dma_wait3A_195 : memref<136x128xf32, #tpu.memory_space<vmem>>)
    %add3A_199 = arith.constant 2720 : i32
    %add3A_200 = arith.addi %multiple_of3A, %add3A_199 : i32
    %dma_start3A_201 = arith.constant 2 : i32
    %dma_start3A_202 = arith.constant 0 : i32
    %dma_start3A_203 = arith.constant 0 : i32
    %dma_start3A_204 = tpu.memref_slice %arg6[%dma_start3A_201, %dma_start3A_202, %dma_start3A_203] : memref<6x136x128xf32, #tpu.memory_space<vmem>> -> memref<1x136x128xf32, #tpu.memory_space<vmem>>
    %dma_start3A_205 = tpu.memref_squeeze %dma_start3A_204 : memref<1x136x128xf32, #tpu.memory_space<vmem>> -> memref<136x128xf32, #tpu.memory_space<vmem>>
    %dma_start3A_206 = arith.constant 0 : i32
    %dma_start3A_207 = tpu.memref_slice %arg4[%add3A_200, %dma_start3A_206] : memref<100000x128xf32, #tpu.memory_space<hbm>> -> memref<136x128xf32, #tpu.memory_space<hbm>>
    %dma_start3A_208 = arith.constant 0 : i32
    %dma_start3A_209 = tpu.memref_slice %arg4[%add3A_200, %dma_start3A_208] : memref<100000x128xf32, #tpu.memory_space<hbm>> -> memref<136x128xf32, #tpu.memory_space<hbm>>
    %dma_start3A_210 = arith.constant 0 : i32
    %dma_start3A_211 = arith.constant 0 : i32
    %dma_start3A_212 = tpu.memref_slice %arg6[%dma_start3A_201, %dma_start3A_210, %dma_start3A_211] : memref<6x136x128xf32, #tpu.memory_space<vmem>> -> memref<1x136x128xf32, #tpu.memory_space<vmem>>
    %dma_start3A_213 = tpu.memref_squeeze %dma_start3A_212 : memref<1x136x128xf32, #tpu.memory_space<vmem>> -> memref<136x128xf32, #tpu.memory_space<vmem>>
    tpu.enqueue_dma source(%dma_start3A_213 : memref<136x128xf32, #tpu.memory_space<vmem>>) target(%dma_start3A_209 : memref<136x128xf32, #tpu.memory_space<hbm>>) target_semaphore(%arg9 : memref<!tpu.dma_semaphore, #tpu.memory_space<semaphore_mem>>)
    %dma_wait3A_214 = arith.constant 0 : i32
    %dma_wait3A_215 = arith.constant 0 : i32
    %dma_wait3A_216 = arith.constant 0 : i32
    %dma_wait3A_217 = tpu.memref_slice %arg6[%dma_wait3A_214, %dma_wait3A_215, %dma_wait3A_216] : memref<6x136x128xf32, #tpu.memory_space<vmem>> -> memref<1x136x128xf32, #tpu.memory_space<vmem>>
    %dma_wait3A_218 = tpu.memref_squeeze %dma_wait3A_217 : memref<1x136x128xf32, #tpu.memory_space<vmem>> -> memref<136x128xf32, #tpu.memory_space<vmem>>
    %dma_wait3A_219 = arith.constant 0 : i32
    %dma_wait3A_220 = tpu.memref_slice %arg4[%multiple_of3A, %dma_wait3A_219] : memref<100000x128xf32, #tpu.memory_space<hbm>> -> memref<136x128xf32, #tpu.memory_space<hbm>>
    %dma_wait3A_221 = arith.constant 0 : i32
    %dma_wait3A_222 = tpu.memref_slice %arg4[%multiple_of3A, %dma_wait3A_221] : memref<100000x128xf32, #tpu.memory_space<hbm>> -> memref<136x128xf32, #tpu.memory_space<hbm>>
    %dma_wait3A_223 = arith.constant 0 : i32
    %dma_wait3A_224 = arith.constant 0 : i32
    %dma_wait3A_225 = tpu.memref_slice %arg6[%dma_wait3A_214, %dma_wait3A_223, %dma_wait3A_224] : memref<6x136x128xf32, #tpu.memory_space<vmem>> -> memref<1x136x128xf32, #tpu.memory_space<vmem>>
    %dma_wait3A_226 = tpu.memref_squeeze %dma_wait3A_225 : memref<1x136x128xf32, #tpu.memory_space<vmem>> -> memref<136x128xf32, #tpu.memory_space<vmem>>
    tpu.wait_dma2 semaphore(%arg9 : memref<!tpu.dma_semaphore, #tpu.memory_space<semaphore_mem>>) src(%dma_wait3A_226 : memref<136x128xf32, #tpu.memory_space<vmem>>) dst(%dma_wait3A_222 : memref<136x128xf32, #tpu.memory_space<hbm>>)
    %dma_wait3A_227 = arith.constant 0 : i32
    %dma_wait3A_228 = arith.constant 0 : i32
    %dma_wait3A_229 = arith.constant 0 : i32
    %dma_wait3A_230 = tpu.memref_slice %arg6[%dma_wait3A_227, %dma_wait3A_228, %dma_wait3A_229] : memref<6x136x128xf32, #tpu.memory_space<vmem>> -> memref<1x136x128xf32, #tpu.memory_space<vmem>>
    %dma_wait3A_231 = tpu.memref_squeeze %dma_wait3A_230 : memref<1x136x128xf32, #tpu.memory_space<vmem>> -> memref<136x128xf32, #tpu.memory_space<vmem>>
    %dma_wait3A_232 = arith.constant 0 : i32
    %dma_wait3A_233 = arith.constant 0 : i32
    %dma_wait3A_234 = tpu.memref_slice %arg7[%dma_wait3A_232, %dma_wait3A_233] : memref<1000x128xf32, #tpu.memory_space<vmem_shared>> -> memref<136x128xf32, #tpu.memory_space<vmem_shared>>
    %dma_wait3A_235 = arith.constant 0 : i32
    %dma_wait3A_236 = arith.constant 0 : i32
    %dma_wait3A_237 = tpu.memref_slice %arg6[%dma_wait3A_227, %dma_wait3A_235, %dma_wait3A_236] : memref<6x136x128xf32, #tpu.memory_space<vmem>> -> memref<1x136x128xf32, #tpu.memory_space<vmem>>
    %dma_wait3A_238 = tpu.memref_squeeze %dma_wait3A_237 : memref<1x136x128xf32, #tpu.memory_space<vmem>> -> memref<136x128xf32, #tpu.memory_space<vmem>>
    %dma_wait3A_239 = arith.constant 0 : i32
    %dma_wait3A_240 = arith.constant 0 : i32
    %dma_wait3A_241 = tpu.memref_slice %arg7[%dma_wait3A_239, %dma_wait3A_240] : memref<1000x128xf32, #tpu.memory_space<vmem_shared>> -> memref<136x128xf32, #tpu.memory_space<vmem_shared>>
    tpu.wait_dma2 semaphore(%arg8 : memref<!tpu.dma_semaphore, #tpu.memory_space<semaphore_mem>>) src(%dma_wait3A_241 : memref<136x128xf32, #tpu.memory_space<vmem_shared>>) dst(%dma_wait3A_238 : memref<136x128xf32, #tpu.memory_space<vmem>>)
    %add3A_242 = arith.constant 2856 : i32
    %add3A_243 = arith.addi %multiple_of3A, %add3A_242 : i32
    %dma_start3A_244 = arith.constant 3 : i32
    %dma_start3A_245 = arith.constant 0 : i32
    %dma_start3A_246 = arith.constant 0 : i32
    %dma_start3A_247 = tpu.memref_slice %arg6[%dma_start3A_244, %dma_start3A_245, %dma_start3A_246] : memref<6x136x128xf32, #tpu.memory_space<vmem>> -> memref<1x136x128xf32, #tpu.memory_space<vmem>>
    %dma_start3A_248 = tpu.memref_squeeze %dma_start3A_247 : memref<1x136x128xf32, #tpu.memory_space<vmem>> -> memref<136x128xf32, #tpu.memory_space<vmem>>
    %dma_start3A_249 = arith.constant 0 : i32
    %dma_start3A_250 = tpu.memref_slice %arg4[%add3A_243, %dma_start3A_249] : memref<100000x128xf32, #tpu.memory_space<hbm>> -> memref<136x128xf32, #tpu.memory_space<hbm>>
    %dma_start3A_251 = arith.constant 0 : i32
    %dma_start3A_252 = tpu.memref_slice %arg4[%add3A_243, %dma_start3A_251] : memref<100000x128xf32, #tpu.memory_space<hbm>> -> memref<136x128xf32, #tpu.memory_space<hbm>>
    %dma_start3A_253 = arith.constant 0 : i32
    %dma_start3A_254 = arith.constant 0 : i32
    %dma_start3A_255 = tpu.memref_slice %arg6[%dma_start3A_244, %dma_start3A_253, %dma_start3A_254] : memref<6x136x128xf32, #tpu.memory_space<vmem>> -> memref<1x136x128xf32, #tpu.memory_space<vmem>>
    %dma_start3A_256 = tpu.memref_squeeze %dma_start3A_255 : memref<1x136x128xf32, #tpu.memory_space<vmem>> -> memref<136x128xf32, #tpu.memory_space<vmem>>
    tpu.enqueue_dma source(%dma_start3A_256 : memref<136x128xf32, #tpu.memory_space<vmem>>) target(%dma_start3A_252 : memref<136x128xf32, #tpu.memory_space<hbm>>) target_semaphore(%arg9 : memref<!tpu.dma_semaphore, #tpu.memory_space<semaphore_mem>>)
    %dma_wait3A_257 = arith.constant 0 : i32
    %dma_wait3A_258 = arith.constant 0 : i32
    %dma_wait3A_259 = arith.constant 0 : i32
    %dma_wait3A_260 = tpu.memref_slice %arg6[%dma_wait3A_257, %dma_wait3A_258, %dma_wait3A_259] : memref<6x136x128xf32, #tpu.memory_space<vmem>> -> memref<1x136x128xf32, #tpu.memory_space<vmem>>
    %dma_wait3A_261 = tpu.memref_squeeze %dma_wait3A_260 : memref<1x136x128xf32, #tpu.memory_space<vmem>> -> memref<136x128xf32, #tpu.memory_space<vmem>>
    %dma_wait3A_262 = arith.constant 0 : i32
    %dma_wait3A_263 = tpu.memref_slice %arg4[%multiple_of3A, %dma_wait3A_262] : memref<100000x128xf32, #tpu.memory_space<hbm>> -> memref<136x128xf32, #tpu.memory_space<hbm>>
    %dma_wait3A_264 = arith.constant 0 : i32
    %dma_wait3A_265 = tpu.memref_slice %arg4[%multiple_of3A, %dma_wait3A_264] : memref<100000x128xf32, #tpu.memory_space<hbm>> -> memref<136x128xf32, #tpu.memory_space<hbm>>
    %dma_wait3A_266 = arith.constant 0 : i32
    %dma_wait3A_267 = arith.constant 0 : i32
    %dma_wait3A_268 = tpu.memref_slice %arg6[%dma_wait3A_257, %dma_wait3A_266, %dma_wait3A_267] : memref<6x136x128xf32, #tpu.memory_space<vmem>> -> memref<1x136x128xf32, #tpu.memory_space<vmem>>
    %dma_wait3A_269 = tpu.memref_squeeze %dma_wait3A_268 : memref<1x136x128xf32, #tpu.memory_space<vmem>> -> memref<136x128xf32, #tpu.memory_space<vmem>>
    tpu.wait_dma2 semaphore(%arg9 : memref<!tpu.dma_semaphore, #tpu.memory_space<semaphore_mem>>) src(%dma_wait3A_269 : memref<136x128xf32, #tpu.memory_space<vmem>>) dst(%dma_wait3A_265 : memref<136x128xf32, #tpu.memory_space<hbm>>)
    %dma_wait3A_270 = arith.constant 0 : i32
    %dma_wait3A_271 = arith.constant 0 : i32
    %dma_wait3A_272 = arith.constant 0 : i32
    %dma_wait3A_273 = tpu.memref_slice %arg6[%dma_wait3A_270, %dma_wait3A_271, %dma_wait3A_272] : memref<6x136x128xf32, #tpu.memory_space<vmem>> -> memref<1x136x128xf32, #tpu.memory_space<vmem>>
    %dma_wait3A_274 = tpu.memref_squeeze %dma_wait3A_273 : memref<1x136x128xf32, #tpu.memory_space<vmem>> -> memref<136x128xf32, #tpu.memory_space<vmem>>
    %dma_wait3A_275 = arith.constant 0 : i32
    %dma_wait3A_276 = arith.constant 0 : i32
    %dma_wait3A_277 = tpu.memref_slice %arg7[%dma_wait3A_275, %dma_wait3A_276] : memref<1000x128xf32, #tpu.memory_space<vmem_shared>> -> memref<136x128xf32, #tpu.memory_space<vmem_shared>>
    %dma_wait3A_278 = arith.constant 0 : i32
    %dma_wait3A_279 = arith.constant 0 : i32
    %dma_wait3A_280 = tpu.memref_slice %arg6[%dma_wait3A_270, %dma_wait3A_278, %dma_wait3A_279] : memref<6x136x128xf32, #tpu.memory_space<vmem>> -> memref<1x136x128xf32, #tpu.memory_space<vmem>>
    %dma_wait3A_281 = tpu.memref_squeeze %dma_wait3A_280 : memref<1x136x128xf32, #tpu.memory_space<vmem>> -> memref<136x128xf32, #tpu.memory_space<vmem>>
    %dma_wait3A_282 = arith.constant 0 : i32
    %dma_wait3A_283 = arith.constant 0 : i32
    %dma_wait3A_284 = tpu.memref_slice %arg7[%dma_wait3A_282, %dma_wait3A_283] : memref<1000x128xf32, #tpu.memory_space<vmem_shared>> -> memref<136x128xf32, #tpu.memory_space<vmem_shared>>
    tpu.wait_dma2 semaphore(%arg8 : memref<!tpu.dma_semaphore, #tpu.memory_space<semaphore_mem>>) src(%dma_wait3A_284 : memref<136x128xf32, #tpu.memory_space<vmem_shared>>) dst(%dma_wait3A_281 : memref<136x128xf32, #tpu.memory_space<vmem>>)
    %add3A_285 = arith.constant 2992 : i32
    %add3A_286 = arith.addi %multiple_of3A, %add3A_285 : i32
    %dma_start3A_287 = arith.constant 4 : i32
    %dma_start3A_288 = arith.constant 0 : i32
    %dma_start3A_289 = arith.constant 0 : i32
    %dma_start3A_290 = tpu.memref_slice %arg6[%dma_start3A_287, %dma_start3A_288, %dma_start3A_289] : memref<6x136x128xf32, #tpu.memory_space<vmem>> -> memref<1x136x128xf32, #tpu.memory_space<vmem>>
    %dma_start3A_291 = tpu.memref_squeeze %dma_start3A_290 : memref<1x136x128xf32, #tpu.memory_space<vmem>> -> memref<136x128xf32, #tpu.memory_space<vmem>>
    %dma_start3A_292 = arith.constant 0 : i32
    %dma_start3A_293 = tpu.memref_slice %arg4[%add3A_286, %dma_start3A_292] : memref<100000x128xf32, #tpu.memory_space<hbm>> -> memref<136x128xf32, #tpu.memory_space<hbm>>
    %dma_start3A_294 = arith.constant 0 : i32
    %dma_start3A_295 = tpu.memref_slice %arg4[%add3A_286, %dma_start3A_294] : memref<100000x128xf32, #tpu.memory_space<hbm>> -> memref<136x128xf32, #tpu.memory_space<hbm>>
    %dma_start3A_296 = arith.constant 0 : i32
    %dma_start3A_297 = arith.constant 0 : i32
    %dma_start3A_298 = tpu.memref_slice %arg6[%dma_start3A_287, %dma_start3A_296, %dma_start3A_297] : memref<6x136x128xf32, #tpu.memory_space<vmem>> -> memref<1x136x128xf32, #tpu.memory_space<vmem>>
    %dma_start3A_299 = tpu.memref_squeeze %dma_start3A_298 : memref<1x136x128xf32, #tpu.memory_space<vmem>> -> memref<136x128xf32, #tpu.memory_space<vmem>>
    tpu.enqueue_dma source(%dma_start3A_299 : memref<136x128xf32, #tpu.memory_space<vmem>>) target(%dma_start3A_295 : memref<136x128xf32, #tpu.memory_space<hbm>>) target_semaphore(%arg9 : memref<!tpu.dma_semaphore, #tpu.memory_space<semaphore_mem>>)
    %dma_wait3A_300 = arith.constant 0 : i32
    %dma_wait3A_301 = arith.constant 0 : i32
    %dma_wait3A_302 = arith.constant 0 : i32
    %dma_wait3A_303 = tpu.memref_slice %arg6[%dma_wait3A_300, %dma_wait3A_301, %dma_wait3A_302] : memref<6x136x128xf32, #tpu.memory_space<vmem>> -> memref<1x136x128xf32, #tpu.memory_space<vmem>>
    %dma_wait3A_304 = tpu.memref_squeeze %dma_wait3A_303 : memref<1x136x128xf32, #tpu.memory_space<vmem>> -> memref<136x128xf32, #tpu.memory_space<vmem>>
    %dma_wait3A_305 = arith.constant 0 : i32
    %dma_wait3A_306 = tpu.memref_slice %arg4[%multiple_of3A, %dma_wait3A_305] : memref<100000x128xf32, #tpu.memory_space<hbm>> -> memref<136x128xf32, #tpu.memory_space<hbm>>
    %dma_wait3A_307 = arith.constant 0 : i32
    %dma_wait3A_308 = tpu.memref_slice %arg4[%multiple_of3A, %dma_wait3A_307] : memref<100000x128xf32, #tpu.memory_space<hbm>> -> memref<136x128xf32, #tpu.memory_space<hbm>>
    %dma_wait3A_309 = arith.constant 0 : i32
    %dma_wait3A_310 = arith.constant 0 : i32
    %dma_wait3A_311 = tpu.memref_slice %arg6[%dma_wait3A_300, %dma_wait3A_309, %dma_wait3A_310] : memref<6x136x128xf32, #tpu.memory_space<vmem>> -> memref<1x136x128xf32, #tpu.memory_space<vmem>>
    %dma_wait3A_312 = tpu.memref_squeeze %dma_wait3A_311 : memref<1x136x128xf32, #tpu.memory_space<vmem>> -> memref<136x128xf32, #tpu.memory_space<vmem>>
    tpu.wait_dma2 semaphore(%arg9 : memref<!tpu.dma_semaphore, #tpu.memory_space<semaphore_mem>>) src(%dma_wait3A_312 : memref<136x128xf32, #tpu.memory_space<vmem>>) dst(%dma_wait3A_308 : memref<136x128xf32, #tpu.memory_space<hbm>>)
    %dma_wait3A_313 = arith.constant 0 : i32
    %dma_wait3A_314 = arith.constant 0 : i32
    %dma_wait3A_315 = arith.constant 0 : i32
    %dma_wait3A_316 = tpu.memref_slice %arg6[%dma_wait3A_313, %dma_wait3A_314, %dma_wait3A_315] : memref<6x136x128xf32, #tpu.memory_space<vmem>> -> memref<1x136x128xf32, #tpu.memory_space<vmem>>
    %dma_wait3A_317 = tpu.memref_squeeze %dma_wait3A_316 : memref<1x136x128xf32, #tpu.memory_space<vmem>> -> memref<136x128xf32, #tpu.memory_space<vmem>>
    %dma_wait3A_318 = arith.constant 0 : i32
    %dma_wait3A_319 = tpu.memref_slice %arg4[%multiple_of3A, %dma_wait3A_318] : memref<100000x128xf32, #tpu.memory_space<hbm>> -> memref<136x128xf32, #tpu.memory_space<hbm>>
    %dma_wait3A_320 = arith.constant 0 : i32
    %dma_wait3A_321 = tpu.memref_slice %arg4[%multiple_of3A, %dma_wait3A_320] : memref<100000x128xf32, #tpu.memory_space<hbm>> -> memref<136x128xf32, #tpu.memory_space<hbm>>
    %dma_wait3A_322 = arith.constant 0 : i32
    %dma_wait3A_323 = arith.constant 0 : i32
    %dma_wait3A_324 = tpu.memref_slice %arg6[%dma_wait3A_313, %dma_wait3A_322, %dma_wait3A_323] : memref<6x136x128xf32, #tpu.memory_space<vmem>> -> memref<1x136x128xf32, #tpu.memory_space<vmem>>
    %dma_wait3A_325 = tpu.memref_squeeze %dma_wait3A_324 : memref<1x136x128xf32, #tpu.memory_space<vmem>> -> memref<136x128xf32, #tpu.memory_space<vmem>>
    tpu.wait_dma2 semaphore(%arg9 : memref<!tpu.dma_semaphore, #tpu.memory_space<semaphore_mem>>) src(%dma_wait3A_325 : memref<136x128xf32, #tpu.memory_space<vmem>>) dst(%dma_wait3A_321 : memref<136x128xf32, #tpu.memory_space<hbm>>)
    return
  }
}

</mosaic_0001>

<sc_bundles>
// kernel: _sc_gather.3.cloned.1.call-start
scs
__scs_entry_jumppad:
0x0: {  	(pc) =	sbr.rel $0x88, $3  }
0x1: {  	(tag) =	ssettag $0x0;
	lr =	simm.s32 $0x1  }
0x2: {  	[smem:$0x3F9F] =	sst lr;
	_ =	strace $0xD0000000  }
0x3: {  	_ = 	snop  }
0x4: {  	_ = 	snop  }
0x5: {  	_ = 	snop  }
0x6: {  	_ = 	snop  }
0x7: {  	_ = 	snop  }
__scs_overlays_trampoline_lowered:
0x8: {  	[smem:$0x3FAE] =	sst s0  }
0x9: {  	[smem:$0x3FAF] =	sst s1  }
0xa: {  	[smem:$0x3FB0] =	sst s2  }
0xb: {  	[smem:$0x3FB1] =	sst s3  }
0xc: {  	[smem:$0x3FB2] =	sst s4  }
0xd: {  	[smem:$0x3FB3] =	sst s5  }
0xe: {  	[smem:$0x3FB4] =	sst s6  }
0xf: {  	[smem:$0x3FB5] =	sst s7  }
0x10: {  	[smem:$0x3FB6] =	sst s8  }
0x11: {  	[smem:$0x3FB7] =	sst s9;
	s0 =	simm.s32 @!p0 $0x0  }
0x12: {  	s1 =	sld [smem:$0x3F9D];
	s0 =	simm.s32 @p0 $0x1  }
0x13: {  	[smem:$0x3FB8] =	sst s0;
	s0 =	simm.s32 @!p1 $0x0  }
0x14: {  	s2 =	sld [smem:$0x3F9C];
	s0 =	simm.s32 @p1 $0x1  }
0x15: {  	[smem:$0x3FB9] =	sst s0;
	s0 =	simm.s32 @!p2 $0x0  }
0x16: {  	s3 =	sld [smem:$0x3FDB];
	s0 =	simm.s32 @p2 $0x1  }
0x17: {  	s4 =	simm.s32 $0x1BF5;
	[smem:$0x3FBB] =	sst s0  }
0x18: {  	s0 =	sld [smem:$0x3F9E];
	_ =	swait.ge [sflag:s4], $0x0  }
0x19: {  	s7 =	sld [smem:$0x3F9F]  }
0x1a: {  	s8 =	sadd.s32 $0xFFFFE003, lr  }
0x1b: {  	s9 =	sadd.s32 $0xFFFFFEF7, lr;
	s5 =	simm.s32 $0xFFFFFFFF;
	p2 =	slt.u32 s8, $0xFFFFF086  }
0x1c: {  	p1 =	slt.u32 s9, $0xF7A;
	s5 =	simm.s32 @!p2 $0x0  }
0x1d: {  	s5 =	simm.s32 @p1 $0x1;
	p0 =	seq.s32 s7, s2  }
0x1e: {  	s7 =	smul.u32 @!p0 $0xF7A, s2;
	p2 =	seq.s32 @!p0 s5, $0x0  }
0x1f: {  	s9 =	smul.u32 $0xF7A, s1;
	s8 =	simm.s32 @!p0 $0x1BF5;
	p2 =	por !p2, p0  }
0x20: {  	[sflag:s8] =	ssyncset.s32 @!p0 $0xFFFFF086;
	s6 =	sadd.s32 @!p0 s3, s7;
	s7 =	simm.s32 @!p0 $0x108  }
0x21: {  	s3 =	sadd.s32 s3, s9;
	s6 =	sadd.s32 @!p0 $0x88, s6;
	s7 =	simm.s32 @p2 $0x1082  }
0x22: {  	[simem:s7], [sflag:s8] =	dma.local @!p0 [hbm:s6], $0xF7A  }
0x23: {  	s9 =	sor.u32 $0xD0000000, s2;
	s6 =	simm.s32 $0x108;
	_ =	swait.ge @!p0 [sflag:s8], $0x0  }
0x24: {  	s3 =	sadd.s32 $0x88, s3;
	s6 =	simm.s32 @!p1 $0x1082;
	[sflag:s4] =	ssyncset.s32 $0xFFFFF086  }
0x25: {  	[simem:s6], [sflag:s4] =	dma.local [hbm:s3], $0xF7A  }
0x26: {  	[smem:$0x3F9F] =	sst s1;
	(tag) =	ssettag s2;
	_ =	strace s9  }
0x27: {  	s1 =	sld [smem:$0x3FAF]  }
0x28: {  	s2 =	sld [smem:$0x3FB0]  }
0x29: {  	s4 =	sld [smem:$0x3FB2]  }
0x2a: {  	p0 =	seq.s32 s5, $0x0;
	s5 =	sld [smem:$0x3FB3]  }
0x2b: {  	s6 =	sld [smem:$0x3FB4]  }
0x2c: {  	s7 =	sld [smem:$0x3FB5]  }
0x2d: {  	s3 =	simm.s32 $0x108;
	s8 =	sld [smem:$0x3FB6]  }
0x2e: {  	s3 =	simm.s32 @!p0 $0x1082;
	s9 =	sld [smem:$0x3FB7]  }
0x2f: {  	lr =	sadd.s32 s0, s3;
	s0 =	sld [smem:$0x3FAE]  }
0x30: {  	s3 =	sld [smem:$0x3FB1]  }
0x31: {  	[smem:$0x3FBA] =	sst s10  }
0x32: {  	s10 =	sld [smem:$0x3FB8];
	_ =	sdelay $0x3  }
0x33: {  	p0 =	seq.s32 s10, $0x1;
	s10 =	sld [smem:$0x3FBA];
	_ =	sdelay $0x3  }
0x34: {  	[smem:$0x3FBA] =	sst s10  }
0x35: {  	s10 =	sld [smem:$0x3FB9];
	_ =	sdelay $0x3  }
0x36: {  	p1 =	seq.s32 s10, $0x1;
	s10 =	sld [smem:$0x3FBA];
	_ =	sdelay $0x3  }
0x37: {  	[smem:$0x3FBA] =	sst s10  }
0x38: {  	s10 =	sld [smem:$0x3FBB]  }
0x39: {  	_ = 	snop;
	(pc) =	sbr.ind lr, $3  }
0x3a: {  	_ = 	snop  }
0x3b: {  	_ = 	snop  }
0x3c: {  	p2 =	seq.s32 s10, $0x1;
	s10 =	sld [smem:$0x3FBA]  }
0x3d: {  	_ =	shalt  }
0x3e: {  	_ =	shalt  }
0x3f: {  	_ =	shalt  }
0x40: {  	_ =	shalt  }
0x41: {  	_ =	shalt  }
0x42: {  	_ =	shalt  }
0x43: {  	_ =	shalt  }
0x44: {  	_ =	shalt  }
0x45: {  	_ =	shalt  }
0x46: {  	_ =	shalt  }
0x47: {  	_ =	shalt  }
0x48: {  	_ =	shalt  }
0x49: {  	_ =	shalt  }
0x4a: {  	_ =	shalt  }
0x4b: {  	_ =	shalt  }
0x4c: {  	_ =	shalt  }
0x4d: {  	_ =	shalt  }
0x4e: {  	_ =	shalt  }
0x4f: {  	_ =	shalt  }
0x50: {  	_ =	shalt  }
0x51: {  	_ =	shalt  }
0x52: {  	_ =	shalt  }
0x53: {  	_ =	shalt  }
0x54: {  	_ =	shalt  }
0x55: {  	_ =	shalt  }
0x56: {  	_ =	shalt  }
0x57: {  	_ =	shalt  }
0x58: {  	_ =	shalt  }
0x59: {  	_ =	shalt  }
0x5a: {  	_ =	shalt  }
0x5b: {  	_ =	shalt  }
0x5c: {  	_ =	shalt  }
0x5d: {  	_ =	shalt  }
0x5e: {  	_ =	shalt  }
0x5f: {  	_ =	shalt  }
0x60: {  	_ =	shalt  }
0x61: {  	_ =	shalt  }
0x62: {  	_ =	shalt  }
0x63: {  	_ =	shalt  }
0x64: {  	_ =	shalt  }
0x65: {  	_ =	shalt  }
0x66: {  	_ =	shalt  }
0x67: {  	_ =	shalt  }
0x68: {  	_ =	shalt  }
0x69: {  	_ =	shalt  }
0x6a: {  	_ =	shalt  }
0x6b: {  	_ =	shalt  }
0x6c: {  	_ =	shalt  }
0x6d: {  	_ =	shalt  }
0x6e: {  	_ =	shalt  }
0x6f: {  	_ =	shalt  }
0x70: {  	_ =	shalt  }
0x71: {  	_ =	shalt  }
0x72: {  	_ =	shalt  }
0x73: {  	_ =	shalt  }
0x74: {  	_ =	shalt  }
0x75: {  	_ =	shalt  }
0x76: {  	_ =	shalt  }
0x77: {  	_ =	shalt  }
0x78: {  	_ =	shalt  }
0x79: {  	_ =	shalt  }
0x7a: {  	_ =	shalt  }
0x7b: {  	_ =	shalt  }
0x7c: {  	_ =	shalt  }
0x7d: {  	_ =	shalt  }
0x7e: {  	_ =	shalt  }
0x7f: {  	_ =	shalt  }
0x80: {  	_ =	shalt  }
0x81: {  	_ =	shalt  }
0x82: {  	_ =	shalt  }
0x83: {  	_ =	shalt  }
0x84: {  	_ =	shalt  }
0x85: {  	_ =	shalt  }
0x86: {  	_ =	shalt  }
0x87: {  	_ =	shalt  }
.Lfunc_end0:
.L_simem_size_0:
called_computation_lowered:
.L_overlay_start_0:
0x88: {  	s2 =	sld [smem:$0x3FD9]  }
0x89: {  	s3 =	sld [smem:$0x3FFE];
	_ =	sdelay $0x1  }
0x8a: {  	s1 =	srdreg.scid  }
0x8b: {  	s0 =	sand.u32 $0x1, s1  }
0x8c: {  	s18 =	sshll.u32 s0, $0xA;
	s2 =	sadd.s32 s3, s2  }
0x8d: {  	s2 =	sadd.s32 s2, s18  }
0x8e: {  	[smem:$0x3FC6] =	sst s2  }
0x8f: {  	_ = 	snop  }
0x90: {  	s2 =	sld [smem:$0x3FC9]  }
0x91: {  	s19 =	sld [smem:$0x3FC8]  }
0x92: {  	s4 =	sld [smem:$0x3FD0];
	(tm) =	ssettm $0x1  }
0x93: {  	s5 =	sld [smem:$0x3FFB];
	_ =	sdelay $0x3  }
0x94: {  	_ =	strace s5  }
0x95: {  	s5 =	sld [smem:$0x3FFC];
	_ =	sdelay $0x3  }
0x96: {  	_ =	strace s5  }
0x97: {  	s5 =	sld [smem:$0x3FFD];
	_ =	sdelay $0x3  }
0x98: {  	_ =	strace s5  }
0x99: {  	_ =	strace $0x8FFFFFFF  }
0x9a: {  	s20 =	sld [smem:$0x3FDB];
	_ =	sdelay $0x1  }
0x9b: {  	s6 =	simm.s32 $_scs_section_size  }
0x9c: {  	s7 =	simm.s32 $_size__tile_overlayer_lowered;
	s8 =	simm.s32 $_tile_overlayer_lowered  }
0x9d: {  	s23 =	simm.s32 $0x1BFF;
	s22 =	sshll.u32 s8, $0x1;
	s5 =	sadd.s32 s6, s20  }
0x9e: {  	s9 =	simm.s32 $0x0;
	s21 =	sshll.u32 s7, $0x1;
	s7 =	sadd.s32 s22, s5  }
0x9f: {  	[timem:s9], [sflag:s23] =	dma.local [hbm:s7], s21  }
0xa0: {  	_ =	swait.ge [sflag:s23], s21  }
0xa1: {  	s6 =	ssub.s32 $0x0, s21;
	[sflag:s23] =	ssyncset.done $0x0  }
0xa2: {  	[sflag:s23] =	ssyncadd.s32 s6;
	_ =	sdelay $0x1  }
0xa3: {  	s24 =	simm.s32 $0x1B8B  }
0xa4: {  	_ =	swait.ge [sflag:s24], $0x1  }
0xa5: {  	[sflag:s24] =	ssyncset.done $0x0  }
0xa6: {  	s25 =	simm.s32 $0x1B8E;
	[sflag:s24] =	ssyncadd.s32 $0xFFFFFFFF  }
0xa7: {  	s26 =	simm.s32 $execute0_lowered;
	[smem:$0x3FD2] =	sst s25  }
0xa8: {  	s6 =	sshll.u32 s26, $0x1;
	_ =	strace $0x80000046;
	[dreg:$0x1] =	wrdreg $0xFFFFFFFF  }
0xa9: {  	s28 =	simm.s32 $_size_execute0_lowered;
	s5 =	sadd.s32 s5, s6;
	[dreg:$0x0] =	wrdreg $0x0  }
0xaa: {  	s6 =	sshll.u32 s28, $0x1;
	[dreg:$0x2] =	wrdreg s5  }
0xab: {  	[dreg:$0x3] =	wrdreg s6  }
0xac: {  	[dreg:$0x4] =	wrdreg $0xC0  }
0xad: {  	_ =	task [dreg:s9], $0x5FFFF  }
0xae: {  	[dreg:$0x1] =	wrdreg $0xFFFFFFFF  }
0xaf: {  	[dreg:$0x0] =	wrdreg $0x60  }
0xb0: {  	[dreg:$0x2] =	wrdreg s2  }
0xb1: {  	[dreg:$0x3] =	wrdreg s19  }
0xb2: {  	[dreg:$0x4] =	wrdreg s4  }
0xb3: {  	[dreg:$0x5] =	wrdreg $0x1A4800  }
0xb4: {  	[dreg:$0x6] =	wrdreg $0x9  }
0xb5: {  	_ =	task.clear_ibuf [dreg:s9], $0x7FFFF;
	_ =	strace $0x90000046  }
0xb6: {  	s29 =	simm.s32 $0x9;
	_ =	strace $0x80000048  }
0xb7: {  	_ =	swait.ge [sflag:s29], $0x1  }
0xb8: {  	[sflag:s29] =	ssyncadd.s32 $0xFFFFFFFF  }
0xb9: {  	_ =	strace $0x90000048  }
0xba: {  	_ =	sfence  }
0xbb: {  	s30 =	sld [smem:$0x0];
	_ =	sdelay $0x2  }
0xbc: {  	s31 =	sshll.u32 s1, $0xD;
	s1 =	sshrl.u32 s1, $0x2  }
0xbd: {  	s3 =	sand.u32 $0x4000, s31;
	s1 =	sadd.s32 s1, s30  }
0xbe: {  	s0 =	sor.u32 s3, s0;
	s1 =	sshll.u32 s1, $0x11  }
0xbf: {  	s0 =	sor.u32 s1, s0  }
0xc0: {  	s0 =	sadd.s32 $0x8F2B, s0  }
0xc1: {  	[sflag:s0] =	ssyncadd.remote.s32 $0x1  }
0xc2: {  	_ =	sfence.sel $0xFFFF  }
0xc3: {  	[dreg:$0x0] =	wrdreg $0xFFFFFFFF;
	(pc) =	sbr.abs _section_cstart, $3  }
0xc4: {  	[dreg:$0x1] =	wrdreg $0xFFFFFFFF  }
0xc5: {  	_ =	task.clear_ibuf [dreg:s9], $0x2FFFF;
	_ =	strace $0x9FFFFFFF  }
0xc6: {  	(tm) =	ssettm $0x7FFFFFFF  }
0xc7: {  	_ =	shalt  }
tec
execute0_lowered:
.L_overlay_start_1:
0x0: {  	(tag) =	ssettag $0x1  }
0x1: {  	s0 =	rddreg [dreg:$0x0]  }
0x2: {  	s1 =	rddreg [dreg:$0x2]  }
0x3: {  	s3 =	srdreg.scid;
	s11 =	stileid.u32  }
0x4: {  	s2 =	rddreg [dreg:$0x3];
	s14 =	simm.s32 $0x3;
	s15 =	simm.s32 $0x88  }
0x5: {  	s16 =	simm.s32 $0xC80;
	s17 =	simm.s32 $0x5080;
	s19 =	simm.s32 $0x9480  }
0x6: {  	s21 =	simm.s32 $0xD880;
	s23 =	simm.s32 $0x11C80;
	s28 =	simm.s32 $0x2  }
0x7: {  	s29 =	simm.s32 $0x0;
	s4 =	sand.u32 $0x1, s3;
	s5 =	sshll.u32 s11, $0x1  }
0x8: {  	s3 =	simm.s32 $0x0;
	s7 =	smul.u32 $0x1870, s11;
	s5 =	sor.u32 s4, s5  }
0x9: {  	p0 =	sne.s32 s11, $0x0;
	[smem:$0x7FF] =	sst s3;
	s5 =	smul.u32 $0xC38, s5  }
0xa: {  	s6 =	ssub.s32 $0x2, s4;
	s9 =	smul.u32 $0xC38, s4;
	s13 =	sshrl.u32 @!p0 s2, $0x3  }
0xb: {  	_ =	strace $0x80000047;
	s8 =	sshrl.u32 s6, $0x1;
	s5 =	smin.u32 s5, $0x17A68  }
0xc: {  	s12 =	ssub.s32 s6, s8;
	s24 =	sshrl.u32 s5, $0x3;
	s5 =	sshll.u32 s5, $0x4  }
0xd: {  	s25 =	sadd.s32 s9, s7;
	s0 =	sadd.s32 s0, s24;
	s5 =	sadd.s32 s1, s5  }
0xe: {  	s11 =	smax.u32 s12, $0x1;
	[dreg:$0x5] =	wrdreg s0;
	s26 =	sadd.s32 $0x9900, s5  }
0xf: {  	s30 =	sadd.s32 $0xA180, s5;
	s0 =	smin.u32 s25, $0x17A68;
	s31 =	sadd.s32 $0xAA00, s5  }
0x10: {  	s9 =	sadd.s32 $0xB280, s5;
	[dreg:$0x6] =	wrdreg s26;
	s0 =	sshll.u32 s0, $0x4  }
0x11: {  	s10 =	sadd.s32 $0xBB00, s5;
	[dreg:$0x7] =	wrdreg s30;
	s0 =	sadd.s32 s0, s1  }
0x12: {  	[dreg:$0x8] =	wrdreg s31;
	s26 =	simm.s32 $0x1;
	s12 =	sadd.s32 $0x880, s0  }
.LBB2_1:
0x13: {  	s0 =	simm.s32 @!p0 $0x1C03;
	s1 =	rddreg [dreg:$0x1]  }
0x14: {  	[spmem:s13], [sflag:s0] =	dma.local @!p0 [hbm:s1], $0x3E80  }
0x15: {  	s0 =	simm.s32 @!p0 $0x3  }
0x16: {  	_ =	swait.ge @!p0 [sflag:s0], $0x3E80  }
0x17: {  	[sflag:s0] =	ssyncset.done @!p0 $0x0  }
0x18: {  	s6 =	rddreg [dreg:$0x5];
	[sflag:s0] =	ssyncadd.s32 @!p0 $0xFFFFC180  }
0x19: {  	[tilespmem:s3], [sflag:$0x3] =	stream.linear.gather [hbm4b:s6+s3], $0xC38, $0x38;
	[tilespmem:$0x1C3C0] =	vst v63  }
0x1a: {  	_ =	swait.ge [sflag:s14], $0xC38  }
0x1b: {  	[sflag:s14] =	ssyncset.done $0x0  }
0x1c: {  	[sflag:s14] =	ssyncadd.s32 $0xFFFFF3C8  }
0x1d: {  	[bflag:$0x0] =	sbarrier.arrive $0xFFFF  }
0x1e: {  	[tilespmem:s16], [sflag:$0x1] =	stream.indirect.gather [spmem:s2], $0x80, s3, s15, $0xb8;
	[tilespmem:$0x1C3C0] =	vst v63  }
0x1f: {  	s7 =	simm.s32 $0x110  }
0x20: {  	[tilespmem:s17], [sflag:$0x1] =	stream.indirect.gather [spmem:s2], $0x80, s15, s15, $0xb8;
	[tilespmem:$0x1C3C0] =	vst v63  }
0x21: {  	s8 =	simm.s32 $0x198;
	s18 =	simm.s32 $0x220;
	s24 =	smul.u32 $0xAB, s26  }
0x22: {  	[tilespmem:s19], [sflag:$0x1] =	stream.indirect.gather [spmem:s2], $0x80, s7, s15, $0xb8;
	[tilespmem:$0x1C3C0] =	vst v63  }
0x23: {  	s20 =	simm.s32 $0x2A8;
	s25 =	simm.s32 $0x0;
	s0 =	sshrl.u32 s24, $0xA  }
0x24: {  	[tilespmem:s21], [sflag:$0x1] =	stream.indirect.gather [spmem:s2], $0x80, s8, s15, $0xb8;
	[tilespmem:$0x1C3C0] =	vst v63  }
0x25: {  	s22 =	simm.s32 $0x16080;
	s1 =	smul.u32 $0x2B, s25;
	s0 =	sand.u32 $0x3F, s0  }
0x26: {  	[tilespmem:s23], [sflag:$0x1] =	stream.indirect.gather [spmem:s2], $0x80, s18, s15, $0xb8;
	[tilespmem:$0x1C3C0] =	vst v63  }
0x27: {  	s0 =	smul.u32 $0x6, s0;
	s18 =	sshrl.u32 s1, $0x1F;
	s1 =	sshrl.u32 s1, $0x8  }
0x28: {  	[tilespmem:s22], [sflag:$0x1] =	stream.indirect.gather [spmem:s2], $0x80, s20, s15, $0xb8;
	[tilespmem:$0x1C3C0] =	vst v63  }
0x29: {  	s0 =	ssub.s32 $0x1, s0;
	s1 =	sadd.s32 s18, s1;
	_ =	swait.ge [sflag:s26], $0x4400  }
0x2a: {  	s0 =	sand.u32 $0xFF, s0;
	s18 =	smul.u32 $0x6, s1;
	[sflag:s26] =	ssyncset.done $0x0  }
0x2b: {  	s31 =	sadd.s32 $0x880, s12;
	s20 =	smul.u32 $0x11000, s0;
	[sflag:s26] =	ssyncadd.s32 $0xFFFFBC00  }
0x2c: {  	[hbm4b:s5+s3] =	stream.linear.scatter [tilespmem:s16], [sflag:$0x2], $0x4400, $0x38;
	[tilespmem:$0x1C3C0] =	vst v63  }
0x2d: {  	s30 =	simm.s32 $0x3B8;
	s18 =	ssub.s32 $0x0, s18;
	_ =	swait.ge [sflag:s26], $0x4400  }
0x2e: {  	s20 =	sshrl.u32 s20, $0x2;
	s18 =	sshll.u32 s18, $0x18;
	[sflag:s26] =	ssyncset.done $0x0  }
0x2f: {  	s20 =	sadd.s32 $0xC80, s20;
	s18 =	sshra.s32 s18, $0x18;
	[sflag:s26] =	ssyncadd.s32 $0xFFFFBC00  }
0x30: {  	[hbm4b:s12+s3] =	stream.linear.scatter [tilespmem:s20], [sflag:$0x2], $0x4400, $0x38;
	[tilespmem:$0x1C3C0] =	vst v63  }
0x31: {  	s24 =	simm.s32 $0x3;
	s0 =	simm.s32 $0x2;
	s20 =	smul.u32 $0x11000, s18  }
0x32: {  	s1 =	simm.s32 $0x330;
	s22 =	smul.u32 $0xAB, s0;
	s18 =	simm.s32 $0x1  }
.LBB2_2:
0x33: {  	s25 =	sshll.u32 s18, $0x18;
	s20 =	sshra.s32 s20, $0x2;
	s4 =	smov.u32 s24  }
0x34: {  	s6 =	sadd.s32 $0x1, s24;
	s7 =	smov.u32 s31;
	s8 =	smov.u32 s1  }
0x35: {  	p1 =	sne.s32 s24, $0x11;
	s1 =	sshrl.u32 s22, $0xA;
	s22 =	sshra.s32 s25, $0x18  }
0x36: {  	s24 =	sand.u32 $0x3F, s1;
	s1 =	smov.u32 s30;
	s22 =	smul.u32 $0x2B, s22  }
0x37: {  	s24 =	smul.u32 $0x6, s24  }
0x38: {  	s25 =	sshrl.u32 s22, $0x1F;
	s22 =	sshrl.u32 s22, $0x8  }
0x39: {  	s24 =	ssub.s32 s0, s24;
	s0 =	smov.u32 s4;
	s22 =	sadd.s32 s25, s22  }
0x3a: {  	s4 =	sand.u32 $0xFF, s24;
	s22 =	smul.u32 $0x6, s22  }
0x3b: {  	s31 =	sadd.s32 $0x880, s31;
	s4 =	smul.u32 $0x11000, s4;
	_ =	swait.ge [sflag:s28], $0x4400  }
0x3c: {  	s20 =	sadd.s32 $0xC80, s20;
	s18 =	ssub.s32 s18, s22;
	[sflag:s28] =	ssyncset.done $0x0  }
0x3d: {  	s4 =	sshrl.u32 s4, $0x2;
	s18 =	sshll.u32 s18, $0x18;
	[sflag:s28] =	ssyncadd.s32 $0xFFFFBC00  }
0x3e: {  	[tilespmem:s20], [sflag:$0x1] =	stream.indirect.gather [spmem:s2], $0x80, s8, s15, $0xb8;
	[tilespmem:$0x1C3C0] =	vst v63  }
.Ltmp0:
0x3f: {  	s30 =	sadd.s32 $0x88, s30;
	(pc) =	sbr.rel @p1 .LBB2_2-.Ltmp0, $4  }
0x40: {  	s24 =	smov.u32 s6;
	s8 =	sshra.s32 s18, $0x18;
	_ =	swait.ge [sflag:s26], $0x4400  }
0x41: {  	s18 =	sadd.s32 $0xFFFFFFFF, s0;
	s20 =	smul.u32 $0x11000, s8;
	[sflag:s26] =	ssyncset.done $0x0  }
0x42: {  	s22 =	smul.u32 $0xAB, s0;
	s4 =	sadd.s32 $0xC80, s4;
	[sflag:s26] =	ssyncadd.s32 $0xFFFFBC00  }
0x43: {  	[hbm4b:s7+s3] =	stream.linear.scatter [tilespmem:s4], [sflag:$0x2], $0x4400, $0x38;
	[tilespmem:$0x1C3C0] =	vst v63  }
0x44: {  	s4 =	sshll.u32 s18, $0x18  }
0x45: {  	s6 =	sshrl.u32 s22, $0xA;
	s4 =	sshra.s32 s4, $0x18  }
0x46: {  	_ =	swait.ge [sflag:s28], $0x4400;
	s6 =	sand.u32 $0x3F, s6;
	s4 =	smul.u32 $0x2B, s4  }
0x47: {  	s20 =	sshra.s32 s20, $0x2;
	[sflag:s28] =	ssyncset.done $0x0;
	s6 =	smul.u32 $0x6, s6  }
0x48: {  	[sflag:s28] =	ssyncadd.s32 $0xFFFFBC00;
	s7 =	sshrl.u32 s4, $0x1F;
	s4 =	sshrl.u32 s4, $0x8  }
0x49: {  	s0 =	ssub.s32 s0, s6;
	s6 =	sadd.s32 $0xC80, s20;
	s4 =	sadd.s32 s7, s4  }
0x4a: {  	[tilespmem:s6], [sflag:$0x1] =	stream.indirect.gather [spmem:s2], $0x80, s1, s15, $0xb8;
	[tilespmem:$0x1C3C0] =	vst v63  }
0x4b: {  	s0 =	sand.u32 $0xFF, s0;
	s4 =	smul.u32 $0x6, s4  }
0x4c: {  	s0 =	smul.u32 $0x11000, s0  }
0x4d: {  	_ =	swait.ge [sflag:s26], $0x4400;
	s4 =	ssub.s32 s18, s4  }
0x4e: {  	[sflag:s26] =	ssyncset.done $0x0;
	s0 =	sshrl.u32 s0, $0x2;
	s22 =	sshll.u32 s4, $0x18  }
0x4f: {  	[sflag:s26] =	ssyncadd.s32 $0xFFFFBC00;
	s0 =	sadd.s32 $0xC80, s0;
	s1 =	sshra.s32 s22, $0x18  }
0x50: {  	[hbm4b:s31+s3] =	stream.linear.scatter [tilespmem:s0], [sflag:$0x2], $0x4400, $0x38;
	[tilespmem:$0x1C3C0] =	vst v63  }
0x51: {  	s1 =	smul.u32 $0x11000, s1  }
0x52: {  	_ =	swait.ge [sflag:s28], $0x4400  }
0x53: {  	[sflag:s28] =	ssyncset.done $0x0;
	s24 =	sshra.s32 s1, $0x2  }
0x54: {  	[sflag:s28] =	ssyncadd.s32 $0xFFFFBC00;
	s0 =	sadd.s32 $0xC80, s24  }
0x55: {  	[tilespmem:s0], [sflag:$0x1] =	stream.indirect.gather [spmem:s2], $0x80, s30, s15, $0xb8;
	[tilespmem:$0x1C3C0] =	vst v63  }
0x56: {  	_ =	swait.ge [sflag:s26], $0x4400  }
0x57: {  	[sflag:s26] =	ssyncset.done $0x0  }
0x58: {  	s25 =	rddreg [dreg:$0x6];
	[sflag:s26] =	ssyncadd.s32 $0xFFFFBC00  }
0x59: {  	[hbm4b:s25+s3] =	stream.linear.scatter [tilespmem:s16], [sflag:$0x2], $0x4400, $0x38;
	[tilespmem:$0x1C3C0] =	vst v63  }
0x5a: {  	_ =	swait.ge [sflag:s28], $0x4400  }
0x5b: {  	[sflag:s28] =	ssyncset.done $0x0  }
0x5c: {  	[sflag:s28] =	ssyncadd.s32 $0xFFFFBC00  }
0x5d: {  	_ =	swait.ge [sflag:s26], $0x4400  }
0x5e: {  	[sflag:s26] =	ssyncset.done $0x0  }
0x5f: {  	s30 =	rddreg [dreg:$0x7];
	[sflag:s26] =	ssyncadd.s32 $0xFFFFBC00  }
0x60: {  	[hbm4b:s30+s3] =	stream.linear.scatter [tilespmem:s17], [sflag:$0x2], $0x4400, $0x38;
	[tilespmem:$0x1C3C0] =	vst v63  }
0x61: {  	_ =	swait.ge [sflag:s28], $0x4400  }
0x62: {  	[sflag:s28] =	ssyncset.done $0x0  }
0x63: {  	[sflag:s28] =	ssyncadd.s32 $0xFFFFBC00  }
0x64: {  	_ =	swait.ge [sflag:s26], $0x4400  }
0x65: {  	[sflag:s26] =	ssyncset.done $0x0  }
0x66: {  	s31 =	rddreg [dreg:$0x8];
	[sflag:s26] =	ssyncadd.s32 $0xFFFFBC00  }
0x67: {  	[hbm4b:s31+s3] =	stream.linear.scatter [tilespmem:s19], [sflag:$0x2], $0x4400, $0x38;
	[tilespmem:$0x1C3C0] =	vst v63  }
0x68: {  	_ =	swait.ge [sflag:s28], $0x4400  }
0x69: {  	[sflag:s28] =	ssyncset.done $0x0  }
0x6a: {  	[sflag:s28] =	ssyncadd.s32 $0xFFFFBC00  }
0x6b: {  	_ =	swait.ge [sflag:s26], $0x4400  }
0x6c: {  	[sflag:s26] =	ssyncset.done $0x0  }
0x6d: {  	[sflag:s26] =	ssyncadd.s32 $0xFFFFBC00  }
0x6e: {  	[hbm4b:s9+s3] =	stream.linear.scatter [tilespmem:s21], [sflag:$0x2], $0x4400, $0x38;
	[tilespmem:$0x1C3C0] =	vst v63  }
0x6f: {  	_ =	swait.ge [sflag:s28], $0x4400  }
0x70: {  	[sflag:s28] =	ssyncset.done $0x0  }
0x71: {  	[sflag:s28] =	ssyncadd.s32 $0xFFFFBC00  }
0x72: {  	_ =	swait.ge [sflag:s26], $0x4400  }
0x73: {  	[sflag:s26] =	ssyncset.done $0x0  }
0x74: {  	s29 =	sadd.s32 $0x1, s29;
	[sflag:s26] =	ssyncadd.s32 $0xFFFFBC00  }
0x75: {  	[hbm4b:s10+s3] =	stream.linear.scatter [tilespmem:s23], [sflag:$0x2], $0x4400, $0x38;
	[tilespmem:$0x1C3C0] =	vst v63  }
0x76: {  	p1 =	sne.s32 s29, s11;
	_ =	swait.ge [sflag:s28], $0x4400  }
.Ltmp1:
0x77: {  	[sflag:s28] =	ssyncset.done $0x0;
	(pc) =	sbr.rel @p1 .LBB2_1-.Ltmp1, $4  }
0x78: {  	[sflag:s28] =	ssyncadd.s32 $0xFFFFBC00  }
0x79: {  	_ =	swait.ge [sflag:s28], $0x4400  }
0x7a: {  	[sflag:s28] =	ssyncset.done $0x0  }
0x7b: {  	[sflag:s28] =	ssyncadd.s32 $0xFFFFBC00  }
0x7c: {  	_ =	sfence.sel $0x180000  }
0x7d: {  	[bflag:$0x0] =	sbarrier.arrive $0xFFFF  }
0x7e: {  	_ =	strace $0x90000047  }
0x7f: {  	[bflag:$0x2] =	sbarrier.arrive $0xFFFF  }
0x80: {  	s0 =	rddreg [dreg:$0x4]  }
0x81: {  	s0 =	sadd.s32 @!p0 $0x100000, s0  }
0x82: {  	[sflag:s0] =	ssyncadd.tile.s32 @!p0 $0x1;
	_ =	shalt  }
.Lfunc_end2:
_tile_overlayer_lowered:
.L_overlay_start_2:
0x83: {  	(tag) =	ssettag $0x2  }
0x84: {  	s0 =	rddreg [dreg:$0x0];
	s2 =	stileid.u32  }
0x85: {  	s1 =	rddreg [dreg:$0x1];
	p0 =	sne.s32 s2, $0x0  }
0x86: {  	s3 =	rddreg [dreg:$0x2];
	[bflag:$0x3] =	sbarrier.arrive $0xFFFF;
	s2 =	simm.s32 @!p0 $0x1C03  }
0x87: {  	[timem:s3], [sflag:s2] =	dma.local @!p0 [hbm:s0], s1  }
0x88: {  	s0 =	simm.s32 @!p0 $0x3  }
0x89: {  	_ =	swait.ge @!p0 [sflag:s0], s1  }
0x8a: {  	s1 =	ssub.s32 @!p0 $0x0, s1;
	[sflag:s0] =	ssyncset.done @!p0 $0x0  }
0x8b: {  	[sflag:s0] =	ssyncadd.s32 @!p0 s1  }
0x8c: {  	[bflag:$0x3] =	sbarrier.arrive $0xFFFF  }
0x8d: {  	_ =	shalt  }

</sc_bundles>
